<compile_context>
chip_gen: v7x
topology: tpu7x:2x2x1
jax: 0.10.2.dev20260603
libtpu: 0.0.44.dev20260713+nightly
codegen_flags: <defaults>
</compile_context>

<pallas_src>
import functools

import jax
import jax.numpy as jnp
from jax import lax
from jax.experimental import pallas as pl
from jax.experimental.pallas import tpu as pltpu
from jax.experimental.pallas import tpu_sc as plsc

_NC = 2
_NS = 16
_NW = _NC * _NS
_CHUNK = 128
_EMB = 64


@functools.lru_cache(maxsize=None)
def _make_gather(B, D, idx_dtype):
    b_per_w = B // _NW
    p_rows = 256
    n_pass = b_per_w // p_rows
    mesh = plsc.VectorSubcoreMesh(
        core_axis_name="c", subcore_axis_name="s",
        num_cores=_NC, num_subcores=_NS)

    @functools.partial(
        pl.kernel,
        mesh=mesh,
        compiler_params=pltpu.CompilerParams(needs_layout_passes=False),
        out_type=[jax.ShapeDtypeStruct((B, D), jnp.float32),
                  jax.ShapeDtypeStruct((B, D), jnp.float32)],
        scratch_types=[
            pltpu.VMEM((b_per_w,), idx_dtype),
            pltpu.VMEM((b_per_w,), idx_dtype),
            pltpu.VMEM((p_rows, D), jnp.float32),
            pltpu.VMEM((p_rows, D), jnp.float32),
            pltpu.SemaphoreType.DMA,
            pltpu.SemaphoreType.DMA,
        ],
    )
    def gather(uid_hbm, iid_hbm, ut_hbm, it_hbm, ue_hbm, ie_hbm,
               uidx_v, iidx_v, urow_v, irow_v, sem_u, sem_i):
        wid = lax.axis_index("s") * _NC + lax.axis_index("c")
        base = wid * b_per_w
        pltpu.sync_copy(uid_hbm.at[pl.ds(base, b_per_w)], uidx_v)
        pltpu.sync_copy(iid_hbm.at[pl.ds(base, b_per_w)], iidx_v)
        lane = lax.iota(jnp.int32, 16)

        for p in range(n_pass):
            def fire(i, _):
                g = (i // 16) * 16
                k = i - g
                uvec = uidx_v[pl.ds(p * p_rows + g, 16)]
                ivec = iidx_v[pl.ds(p * p_rows + g, 16)]
                us = jnp.sum(jnp.where(lane == k, uvec, 0))
                vs = jnp.sum(jnp.where(lane == k, ivec, 0))
                pltpu.async_copy(ut_hbm.at[pl.ds(us, 1)],
                                 urow_v.at[pl.ds(i, 1)], sem_u)
                pltpu.async_copy(it_hbm.at[pl.ds(vs, 1)],
                                 irow_v.at[pl.ds(i, 1)], sem_i)
                return _

            lax.fori_loop(0, p_rows, fire, 0)
            pltpu.make_async_copy(
                ut_hbm.at[pl.ds(0, p_rows)], urow_v, sem_u).wait()
            pltpu.make_async_copy(
                it_hbm.at[pl.ds(0, p_rows)], irow_v, sem_i).wait()
            dst = pl.ds(base + p * p_rows, p_rows)
            pltpu.sync_copy(urow_v, ue_hbm.at[dst])
            pltpu.sync_copy(irow_v, ie_hbm.at[dst])

    return gather


def _layernorm(x, g, b, eps=1e-5):
    mu = jnp.mean(x, axis=-1, keepdims=True)
    xc = x - mu
    var = jnp.mean(xc * xc, axis=-1, keepdims=True)
    return xc / jnp.sqrt(var + eps) * g + b


def _gelu(x):
    return 0.5 * x * (1.0 + lax.erf(x * 0.7071067811865476))


def _mlp_body(ue, ie, w0u, w0i, b0, g0, be0, w1, b1, g1, be1,
              w2, b2, g2, be2, wo, bo, out):
    f32 = jnp.float32
    x = (jnp.dot(ue[...], w0u[...], preferred_element_type=f32)
         + jnp.dot(ie[...], w0i[...], preferred_element_type=f32)
         + b0[...])
    x = _gelu(_layernorm(x, g0[...], be0[...]))
    x = jnp.dot(x, w1[...], preferred_element_type=f32) + b1[...]
    x = _gelu(_layernorm(x, g1[...], be1[...]))
    x = jnp.dot(x, w2[...], preferred_element_type=f32) + b2[...]
    x = _gelu(_layernorm(x, g2[...], be2[...]))
    out[...] = jnp.sum(x * wo[...], axis=-1, keepdims=True) + bo[...]


@functools.lru_cache(maxsize=None)
def _make_mlp(B, tile, h0, h1, h2, interpret=False):
    grid = B // tile
    row = lambda i: (i, 0)
    rep = lambda i: (0, 0)
    in_specs = [
        pl.BlockSpec((tile, _EMB), row),
        pl.BlockSpec((tile, _EMB), row),
        pl.BlockSpec((_EMB, h0), rep),
        pl.BlockSpec((_EMB, h0), rep),
        pl.BlockSpec((1, h0), rep),
        pl.BlockSpec((1, h0), rep),
        pl.BlockSpec((1, h0), rep),
        pl.BlockSpec((h0, h1), rep),
        pl.BlockSpec((1, h1), rep),
        pl.BlockSpec((1, h1), rep),
        pl.BlockSpec((1, h1), rep),
        pl.BlockSpec((h1, h2), rep),
        pl.BlockSpec((1, h2), rep),
        pl.BlockSpec((1, h2), rep),
        pl.BlockSpec((1, h2), rep),
        pl.BlockSpec((1, h2), rep),
        pl.BlockSpec((1, 1), rep),
    ]
    return pl.pallas_call(
        _mlp_body,
        grid=(grid,),
        in_specs=in_specs,
        out_specs=pl.BlockSpec((tile, 1), row),
        out_shape=jax.ShapeDtypeStruct((B, 1), jnp.float32),
        interpret=interpret,
    )


def kernel(user_ids, item_ids, user_table, item_table,
           W0, b0, g0, beta0, W1, b1, g1, beta1, W2, b2, g2, beta2,
           W_out, b_out):
    B = user_ids.shape[0]
    D = user_table.shape[1]
    ue, ie = _make_gather(B, D, jnp.int32)(
        user_ids.astype(jnp.int32), item_ids.astype(jnp.int32),
        user_table, item_table)

    h0, h1, h2 = W0.shape[1], W1.shape[1], W2.shape[1]
    mlp = _make_mlp(B, 1024, h0, h1, h2)
    return mlp(ue, ie, W0[:D], W0[D:],
               b0.reshape(1, -1), g0.reshape(1, -1), beta0.reshape(1, -1),
               W1, b1.reshape(1, -1), g1.reshape(1, -1), beta1.reshape(1, -1),
               W2, b2.reshape(1, -1), g2.reshape(1, -1), beta2.reshape(1, -1),
               W_out.reshape(1, -1), b_out.reshape(1, 1))

# --- scband reference (transcript-rebuilt; emitter-appended) ---
"""Pipeline reference for scband-ncfrecommender-3058016715017 (READ-ONLY COPY).

The authoritative reference and input builder live on the scoring server;
editing this copy changes nothing except your own understanding.
"""

import jax, jax.numpy as jnp
import numpy as np
import math

NUM_USERS = 1000000
NUM_ITEMS = 1000000
EMB = 64
HIDDEN = [256, 128, 64]
BATCH = 16384


def _kaiming(key, fan_in, shape):
    std = math.sqrt(2.0 / fan_in)
    return jax.random.normal(key, shape, dtype=jnp.float32) * std


def setup_inputs(seed: int = 0) -> dict:
    key = jax.random.key(seed)
    ks = jax.random.split(key, 16)
    inp = {}
    inp['user_ids'] = jax.random.randint(ks[0], (BATCH,), 0, NUM_USERS, dtype=jnp.int64) if jax.config.jax_enable_x64 else jax.random.randint(ks[0], (BATCH,), 0, NUM_USERS, dtype=jnp.int32)
    inp['item_ids'] = jax.random.randint(ks[1], (BATCH,), 0, NUM_ITEMS, dtype=jnp.int32)
    inp['user_table'] = jax.random.normal(ks[2], (NUM_USERS, EMB), dtype=jnp.float32) * 0.01
    inp['item_table'] = jax.random.normal(ks[3], (NUM_ITEMS, EMB), dtype=jnp.float32) * 0.01
    in_dim = 2 * EMB
    for i, h in enumerate(HIDDEN):
        inp[f'W{i}'] = _kaiming(ks[4 + 2 * i], in_dim, (in_dim, h))
        inp[f'b{i}'] = jnp.zeros((h,), dtype=jnp.float32)
        inp[f'g{i}'] = jnp.ones((h,), dtype=jnp.float32)
        inp[f'beta{i}'] = jnp.zeros((h,), dtype=jnp.float32)
        in_dim = h
    inp['W_out'] = _kaiming(ks[12], in_dim, (in_dim, 1))
    inp['b_out'] = jnp.zeros((1,), dtype=jnp.float32)
    return inp


def _layernorm(x, g, b, eps=1e-5):
    mu = jnp.mean(x, axis=-1, keepdims=True)
    var = jnp.mean((x - mu) ** 2, axis=-1, keepdims=True)
    return (x - mu) / jnp.sqrt(var + eps) * g + b


def reference(user_ids, item_ids, user_table, item_table,
              W0, b0, g0, beta0, W1, b1, g1, beta1, W2, b2, g2, beta2,
              W_out, b_out):
    ue = jnp.take(user_table, user_ids, axis=0)
    ie = jnp.take(item_table, item_ids, axis=0)
    x = jnp.concatenate([ue, ie], axis=-1)
    for W, b, g, beta in ((W0, b0, g0, beta0), (W1, b1, g1, beta1), (W2, b2, g2, beta2)):
        x = x @ W + b
        x = _layernorm(x, g, beta)
        x = jax.nn.gelu(x, approximate=False)
    logits = x @ W_out + b_out
    return logits

if __name__ == "__main__":
    import jax
    _d = setup_inputs()
    print(jax.jit(kernel)(*tuple(_d.values())))

</pallas_src>

<mosaic_0001>
#map = affine_map<(d0, d1) -> (0)>
#map1 = affine_map<(d0, d1) -> (0, 0)>
module attributes {stable_mosaic.version = 14 : i64} {
  func.func @gather(%arg0: i32, %arg1: i32, %arg2: memref<16384xi32, #tpu.memory_space<hbm>>, %arg3: memref<16384xi32, #tpu.memory_space<hbm>>, %arg4: memref<1000000x64xf32, #tpu.memory_space<hbm>>, %arg5: memref<1000000x64xf32, #tpu.memory_space<hbm>>, %arg6: memref<16384x64xf32, #tpu.memory_space<hbm>>, %arg7: memref<16384x64xf32, #tpu.memory_space<hbm>>, %arg8: memref<512xi32, #tpu.memory_space<vmem>>, %arg9: memref<512xi32, #tpu.memory_space<vmem>>, %arg10: memref<256x64xf32, #tpu.memory_space<vmem>>, %arg11: memref<256x64xf32, #tpu.memory_space<vmem>>, %arg12: memref<!tpu.dma_semaphore, #tpu.memory_space<semaphore_mem>>, %arg13: memref<!tpu.dma_semaphore, #tpu.memory_space<semaphore_mem>>) attributes {dimension_semantics = [#tpu.dimension_semantics<core_parallel>, #tpu.dimension_semantics<subcore_parallel>], iteration_bounds = array<i64: 2, 16>, scalar_prefetch = 0 : i64, scratch_operands = 6 : i64, tpu.core_type = #tpu.core_type<sc_vector_subcore>, window_params = [{transform_indices = #map}, {transform_indices = #map}, {transform_indices = #map1}, {transform_indices = #map1}, {transform_indices = #map1}, {transform_indices = #map1}]} {
    %mul3A = arith.constant 2 : i32
    %mul3A_0 = arith.muli %arg1, %mul3A : i32
    %add3A = arith.addi %mul3A_0, %arg0 : i32
    %mul3A_1 = arith.constant 512 : i32
    %mul3A_2 = arith.muli %add3A, %mul3A_1 : i32
    "tpu.region"() ({
      %run_scoped3A = tpu.sem_alloc : memref<!tpu.dma_semaphore, #tpu.memory_space<semaphore_mem>>
      %dma_start3A = tpu.memref_slice %arg2[%mul3A_2] : memref<16384xi32, #tpu.memory_space<hbm>> -> memref<512xi32, #tpu.memory_space<hbm>>
      %dma_start3A_41 = tpu.memref_slice %arg2[%mul3A_2] : memref<16384xi32, #tpu.memory_space<hbm>> -> memref<512xi32, #tpu.memory_space<hbm>>
      tpu.enqueue_dma source(%dma_start3A_41 : memref<512xi32, #tpu.memory_space<hbm>>) target(%arg8 : memref<512xi32, #tpu.memory_space<vmem>>) target_semaphore(%run_scoped3A : memref<!tpu.dma_semaphore, #tpu.memory_space<semaphore_mem>>)
      %dma_wait3A_42 = tpu.memref_slice %arg2[%mul3A_2] : memref<16384xi32, #tpu.memory_space<hbm>> -> memref<512xi32, #tpu.memory_space<hbm>>
      %dma_wait3A_43 = tpu.memref_slice %arg2[%mul3A_2] : memref<16384xi32, #tpu.memory_space<hbm>> -> memref<512xi32, #tpu.memory_space<hbm>>
      tpu.wait_dma2 semaphore(%run_scoped3A : memref<!tpu.dma_semaphore, #tpu.memory_space<semaphore_mem>>) src(%dma_wait3A_43 : memref<512xi32, #tpu.memory_space<hbm>>) dst(%arg8 : memref<512xi32, #tpu.memory_space<vmem>>)
      tpu.yield
    }) : () -> ()
    "tpu.region"() ({
      %run_scoped3A = tpu.sem_alloc : memref<!tpu.dma_semaphore, #tpu.memory_space<semaphore_mem>>
      %dma_start3A = tpu.memref_slice %arg3[%mul3A_2] : memref<16384xi32, #tpu.memory_space<hbm>> -> memref<512xi32, #tpu.memory_space<hbm>>
      %dma_start3A_41 = tpu.memref_slice %arg3[%mul3A_2] : memref<16384xi32, #tpu.memory_space<hbm>> -> memref<512xi32, #tpu.memory_space<hbm>>
      tpu.enqueue_dma source(%dma_start3A_41 : memref<512xi32, #tpu.memory_space<hbm>>) target(%arg9 : memref<512xi32, #tpu.memory_space<vmem>>) target_semaphore(%run_scoped3A : memref<!tpu.dma_semaphore, #tpu.memory_space<semaphore_mem>>)
      %dma_wait3A_42 = tpu.memref_slice %arg3[%mul3A_2] : memref<16384xi32, #tpu.memory_space<hbm>> -> memref<512xi32, #tpu.memory_space<hbm>>
      %dma_wait3A_43 = tpu.memref_slice %arg3[%mul3A_2] : memref<16384xi32, #tpu.memory_space<hbm>> -> memref<512xi32, #tpu.memory_space<hbm>>
      tpu.wait_dma2 semaphore(%run_scoped3A : memref<!tpu.dma_semaphore, #tpu.memory_space<semaphore_mem>>) src(%dma_wait3A_43 : memref<512xi32, #tpu.memory_space<hbm>>) dst(%arg9 : memref<512xi32, #tpu.memory_space<vmem>>)
      tpu.yield
    }) : () -> ()
    %iota3A = tpu.iota {dimensions = array<i32: 0>} : vector<16xi32>
    %scan3A = arith.constant 0 : i32
    %scan3A_3 = arith.constant 0 : i32
    %scan3A_4 = arith.constant 256 : i32
    %scan3A_5 = arith.addi %scan3A_3, %scan3A_4 : i32
    %scan3A_6 = arith.constant 1 : i32
    scf.for %scan3A_41 = %scan3A_3 to %scan3A_5 step %scan3A_6  : i32 {
      %jit3A = arith.constant 16 : i32
      %div3A = arith.divsi %scan3A_41, %jit3A : i32
      %sign3A = arith.constant 0 : i32
      %sign3A_42 = arith.cmpi sgt, %scan3A_41, %sign3A : i32
      %sign3A_43 = arith.extui %sign3A_42 : i1 to i32
      %sign3A_44 = arith.constant 0 : i32
      %sign3A_45 = arith.cmpi slt, %scan3A_41, %sign3A_44 : i32
      %sign3A_46 = arith.extui %sign3A_45 : i1 to i32
      %sign3A_47 = arith.subi %sign3A_43, %sign3A_46 : i32
      %sign3A_48 = arith.constant 0 : i32
      %sign3A_49 = arith.cmpi sgt, %jit3A, %sign3A_48 : i32
      %sign3A_50 = arith.extui %sign3A_49 : i1 to i32
      %sign3A_51 = arith.constant 0 : i32
      %sign3A_52 = arith.cmpi slt, %jit3A, %sign3A_51 : i32
      %sign3A_53 = arith.extui %sign3A_52 : i1 to i32
      %sign3A_54 = arith.subi %sign3A_50, %sign3A_53 : i32
      %ne3A = arith.cmpi ne, %sign3A_47, %sign3A_54 : i32
      %rem3A = arith.remsi %scan3A_41, %jit3A : i32
      %ne3A_55 = arith.constant 0 : i32
      %ne3A_56 = arith.cmpi ne, %rem3A, %ne3A_55 : i32
      %and3A = arith.andi %ne3A, %ne3A_56 : i1
      %sub3A = arith.constant 1 : i32
      %sub3A_57 = arith.subi %div3A, %sub3A : i32
      %select_n3A = arith.select %and3A, %sub3A_57, %div3A : i32
      %mul3A_58 = arith.constant 16 : i32
      %mul3A_59 = arith.muli %select_n3A, %mul3A_58 : i32
      %sub3A_60 = arith.subi %scan3A_41, %mul3A_59 : i32
      %add3A_61 = arith.constant 0 : i32
      %add3A_62 = arith.addi %add3A_61, %mul3A_59 : i32
      %get3A = arith.index_cast %add3A_62 : i32 to index
      %get3A_63 = tpu.vector_load %arg8[%get3A] {strides = array<i32>} : memref<512xi32, #tpu.memory_space<vmem>>, vector<16xi32>,
      %add3A_64 = arith.constant 0 : i32
      %add3A_65 = arith.addi %add3A_64, %mul3A_59 : i32
      %get3A_66 = arith.index_cast %add3A_65 : i32 to index
      %get3A_67 = tpu.vector_load %arg9[%get3A_66] {strides = array<i32>} : memref<512xi32, #tpu.memory_space<vmem>>, vector<16xi32>,
      %eq3A = vector.broadcast %sub3A_60 : i32 to vector<16xi32>
      %eq3A_68 = arith.cmpi eq, %iota3A, %eq3A : vector<16xi32>
      %jit3A_69 = arith.constant 0 : i32
      %broadcast_in_dim3A = vector.broadcast %jit3A_69 : i32 to vector<16xi32>
      %select_n3A_70 = arith.select %eq3A_68, %get3A_63, %broadcast_in_dim3A : vector<16xi1>, vector<16xi32>
      %reduce_sum3A = arith.constant true
      %reduce_sum3A_71 = vector.broadcast %reduce_sum3A : i1 to vector<16xi1>
      %reduce_sum3A_72 = tpu.scan <sum>, %select_n3A_70 masked %reduce_sum3A_71 : vector<16xi32>, vector<16xi1> -> vector<16xi32>
      %reduce_sum3A_73 = vector.extract %reduce_sum3A_72[15] : i32 from vector<16xi32>
      %eq3A_74 = vector.broadcast %sub3A_60 : i32 to vector<16xi32>
      %eq3A_75 = arith.cmpi eq, %iota3A, %eq3A_74 : vector<16xi32>
      %jit3A_76 = arith.constant 0 : i32
      %broadcast_in_dim3A_77 = vector.broadcast %jit3A_76 : i32 to vector<16xi32>
      %select_n3A_78 = arith.select %eq3A_75, %get3A_67, %broadcast_in_dim3A_77 : vector<16xi1>, vector<16xi32>
      %reduce_sum3A_79 = arith.constant true
      %reduce_sum3A_80 = vector.broadcast %reduce_sum3A_79 : i1 to vector<16xi1>
      %reduce_sum3A_81 = tpu.scan <sum>, %select_n3A_78 masked %reduce_sum3A_80 : vector<16xi32>, vector<16xi1> -> vector<16xi32>
      %reduce_sum3A_82 = vector.extract %reduce_sum3A_81[15] : i32 from vector<16xi32>
      %dma_start3A = arith.constant 0 : i32
      %dma_start3A_83 = tpu.memref_slice %arg10[%scan3A_41, %dma_start3A] : memref<256x64xf32, #tpu.memory_space<vmem>> -> memref<1x64xf32, #tpu.memory_space<vmem>>
      %dma_start3A_84 = arith.constant 0 : i32
      %dma_start3A_85 = tpu.memref_slice %arg4[%reduce_sum3A_73, %dma_start3A_84] : memref<1000000x64xf32, #tpu.memory_space<hbm>> -> memref<1x64xf32, #tpu.memory_space<hbm>>
      %dma_start3A_86 = arith.constant 0 : i32
      %dma_start3A_87 = tpu.memref_slice %arg10[%scan3A_41, %dma_start3A_86] : memref<256x64xf32, #tpu.memory_space<vmem>> -> memref<1x64xf32, #tpu.memory_space<vmem>>
      %dma_start3A_88 = arith.constant 0 : i32
      %dma_start3A_89 = tpu.memref_slice %arg4[%reduce_sum3A_73, %dma_start3A_88] : memref<1000000x64xf32, #tpu.memory_space<hbm>> -> memref<1x64xf32, #tpu.memory_space<hbm>>
      tpu.enqueue_dma source(%dma_start3A_89 : memref<1x64xf32, #tpu.memory_space<hbm>>) target(%dma_start3A_87 : memref<1x64xf32, #tpu.memory_space<vmem>>) target_semaphore(%arg12 : memref<!tpu.dma_semaphore, #tpu.memory_space<semaphore_mem>>)
      %dma_start3A_90 = arith.constant 0 : i32
      %dma_start3A_91 = tpu.memref_slice %arg11[%scan3A_41, %dma_start3A_90] : memref<256x64xf32, #tpu.memory_space<vmem>> -> memref<1x64xf32, #tpu.memory_space<vmem>>
      %dma_start3A_92 = arith.constant 0 : i32
      %dma_start3A_93 = tpu.memref_slice %arg5[%reduce_sum3A_82, %dma_start3A_92] : memref<1000000x64xf32, #tpu.memory_space<hbm>> -> memref<1x64xf32, #tpu.memory_space<hbm>>
      %dma_start3A_94 = arith.constant 0 : i32
      %dma_start3A_95 = tpu.memref_slice %arg11[%scan3A_41, %dma_start3A_94] : memref<256x64xf32, #tpu.memory_space<vmem>> -> memref<1x64xf32, #tpu.memory_space<vmem>>
      %dma_start3A_96 = arith.constant 0 : i32
      %dma_start3A_97 = tpu.memref_slice %arg5[%reduce_sum3A_82, %dma_start3A_96] : memref<1000000x64xf32, #tpu.memory_space<hbm>> -> memref<1x64xf32, #tpu.memory_space<hbm>>
      tpu.enqueue_dma source(%dma_start3A_97 : memref<1x64xf32, #tpu.memory_space<hbm>>) target(%dma_start3A_95 : memref<1x64xf32, #tpu.memory_space<vmem>>) target_semaphore(%arg13 : memref<!tpu.dma_semaphore, #tpu.memory_space<semaphore_mem>>)
    }
    %scan3A_7 = arith.constant 256 : i32
    %dma_wait3A = arith.constant 0 : i32
    %dma_wait3A_8 = arith.constant 0 : i32
    %dma_wait3A_9 = tpu.memref_slice %arg4[%dma_wait3A, %dma_wait3A_8] : memref<1000000x64xf32, #tpu.memory_space<hbm>> -> memref<256x64xf32, #tpu.memory_space<hbm>>
    %dma_wait3A_10 = arith.constant 0 : i32
    %dma_wait3A_11 = arith.constant 0 : i32
    %dma_wait3A_12 = tpu.memref_slice %arg4[%dma_wait3A_10, %dma_wait3A_11] : memref<1000000x64xf32, #tpu.memory_space<hbm>> -> memref<256x64xf32, #tpu.memory_space<hbm>>
    tpu.wait_dma2 semaphore(%arg12 : memref<!tpu.dma_semaphore, #tpu.memory_space<semaphore_mem>>) src(%dma_wait3A_12 : memref<256x64xf32, #tpu.memory_space<hbm>>) dst(%arg10 : memref<256x64xf32, #tpu.memory_space<vmem>>)
    %dma_wait3A_13 = arith.constant 0 : i32
    %dma_wait3A_14 = arith.constant 0 : i32
    %dma_wait3A_15 = tpu.memref_slice %arg5[%dma_wait3A_13, %dma_wait3A_14] : memref<1000000x64xf32, #tpu.memory_space<hbm>> -> memref<256x64xf32, #tpu.memory_space<hbm>>
    %dma_wait3A_16 = arith.constant 0 : i32
    %dma_wait3A_17 = arith.constant 0 : i32
    %dma_wait3A_18 = tpu.memref_slice %arg5[%dma_wait3A_16, %dma_wait3A_17] : memref<1000000x64xf32, #tpu.memory_space<hbm>> -> memref<256x64xf32, #tpu.memory_space<hbm>>
    tpu.wait_dma2 semaphore(%arg13 : memref<!tpu.dma_semaphore, #tpu.memory_space<semaphore_mem>>) src(%dma_wait3A_18 : memref<256x64xf32, #tpu.memory_space<hbm>>) dst(%arg11 : memref<256x64xf32, #tpu.memory_space<vmem>>)
    %add3A_19 = arith.constant 0 : i32
    %add3A_20 = arith.addi %mul3A_2, %add3A_19 : i32
    "tpu.region"() ({
      %run_scoped3A = tpu.sem_alloc : memref<!tpu.dma_semaphore, #tpu.memory_space<semaphore_mem>>
      %dma_start3A = arith.constant 0 : i32
      %dma_start3A_41 = tpu.memref_slice %arg6[%add3A_20, %dma_start3A] : memref<16384x64xf32, #tpu.memory_space<hbm>> -> memref<256x64xf32, #tpu.memory_space<hbm>>
      %dma_start3A_42 = arith.constant 0 : i32
      %dma_start3A_43 = tpu.memref_slice %arg6[%add3A_20, %dma_start3A_42] : memref<16384x64xf32, #tpu.memory_space<hbm>> -> memref<256x64xf32, #tpu.memory_space<hbm>>
      tpu.enqueue_dma source(%arg10 : memref<256x64xf32, #tpu.memory_space<vmem>>) target(%dma_start3A_43 : memref<256x64xf32, #tpu.memory_space<hbm>>) target_semaphore(%run_scoped3A : memref<!tpu.dma_semaphore, #tpu.memory_space<semaphore_mem>>)
      %dma_wait3A_44 = arith.constant 0 : i32
      %dma_wait3A_45 = tpu.memref_slice %arg6[%add3A_20, %dma_wait3A_44] : memref<16384x64xf32, #tpu.memory_space<hbm>> -> memref<256x64xf32, #tpu.memory_space<hbm>>
      %dma_wait3A_46 = arith.constant 0 : i32
      %dma_wait3A_47 = tpu.memref_slice %arg6[%add3A_20, %dma_wait3A_46] : memref<16384x64xf32, #tpu.memory_space<hbm>> -> memref<256x64xf32, #tpu.memory_space<hbm>>
      tpu.wait_dma2 semaphore(%run_scoped3A : memref<!tpu.dma_semaphore, #tpu.memory_space<semaphore_mem>>) src(%arg10 : memref<256x64xf32, #tpu.memory_space<vmem>>) dst(%dma_wait3A_47 : memref<256x64xf32, #tpu.memory_space<hbm>>)
      tpu.yield
    }) : () -> ()
    "tpu.region"() ({
      %run_scoped3A = tpu.sem_alloc : memref<!tpu.dma_semaphore, #tpu.memory_space<semaphore_mem>>
      %dma_start3A = arith.constant 0 : i32
      %dma_start3A_41 = tpu.memref_slice %arg7[%add3A_20, %dma_start3A] : memref<16384x64xf32, #tpu.memory_space<hbm>> -> memref<256x64xf32, #tpu.memory_space<hbm>>
      %dma_start3A_42 = arith.constant 0 : i32
      %dma_start3A_43 = tpu.memref_slice %arg7[%add3A_20, %dma_start3A_42] : memref<16384x64xf32, #tpu.memory_space<hbm>> -> memref<256x64xf32, #tpu.memory_space<hbm>>
      tpu.enqueue_dma source(%arg11 : memref<256x64xf32, #tpu.memory_space<vmem>>) target(%dma_start3A_43 : memref<256x64xf32, #tpu.memory_space<hbm>>) target_semaphore(%run_scoped3A : memref<!tpu.dma_semaphore, #tpu.memory_space<semaphore_mem>>)
      %dma_wait3A_44 = arith.constant 0 : i32
      %dma_wait3A_45 = tpu.memref_slice %arg7[%add3A_20, %dma_wait3A_44] : memref<16384x64xf32, #tpu.memory_space<hbm>> -> memref<256x64xf32, #tpu.memory_space<hbm>>
      %dma_wait3A_46 = arith.constant 0 : i32
      %dma_wait3A_47 = tpu.memref_slice %arg7[%add3A_20, %dma_wait3A_46] : memref<16384x64xf32, #tpu.memory_space<hbm>> -> memref<256x64xf32, #tpu.memory_space<hbm>>
      tpu.wait_dma2 semaphore(%run_scoped3A : memref<!tpu.dma_semaphore, #tpu.memory_space<semaphore_mem>>) src(%arg11 : memref<256x64xf32, #tpu.memory_space<vmem>>) dst(%dma_wait3A_47 : memref<256x64xf32, #tpu.memory_space<hbm>>)
      tpu.yield
    }) : () -> ()
    %scan3A_21 = arith.constant 0 : i32
    %scan3A_22 = arith.constant 0 : i32
    %scan3A_23 = arith.constant 256 : i32
    %scan3A_24 = arith.addi %scan3A_22, %scan3A_23 : i32
    %scan3A_25 = arith.constant 1 : i32
    scf.for %scan3A_41 = %scan3A_22 to %scan3A_24 step %scan3A_25  : i32 {
      %jit3A = arith.constant 16 : i32
      %div3A = arith.divsi %scan3A_41, %jit3A : i32
      %sign3A = arith.constant 0 : i32
      %sign3A_42 = arith.cmpi sgt, %scan3A_41, %sign3A : i32
      %sign3A_43 = arith.extui %sign3A_42 : i1 to i32
      %sign3A_44 = arith.constant 0 : i32
      %sign3A_45 = arith.cmpi slt, %scan3A_41, %sign3A_44 : i32
      %sign3A_46 = arith.extui %sign3A_45 : i1 to i32
      %sign3A_47 = arith.subi %sign3A_43, %sign3A_46 : i32
      %sign3A_48 = arith.constant 0 : i32
      %sign3A_49 = arith.cmpi sgt, %jit3A, %sign3A_48 : i32
      %sign3A_50 = arith.extui %sign3A_49 : i1 to i32
      %sign3A_51 = arith.constant 0 : i32
      %sign3A_52 = arith.cmpi slt, %jit3A, %sign3A_51 : i32
      %sign3A_53 = arith.extui %sign3A_52 : i1 to i32
      %sign3A_54 = arith.subi %sign3A_50, %sign3A_53 : i32
      %ne3A = arith.cmpi ne, %sign3A_47, %sign3A_54 : i32
      %rem3A = arith.remsi %scan3A_41, %jit3A : i32
      %ne3A_55 = arith.constant 0 : i32
      %ne3A_56 = arith.cmpi ne, %rem3A, %ne3A_55 : i32
      %and3A = arith.andi %ne3A, %ne3A_56 : i1
      %sub3A = arith.constant 1 : i32
      %sub3A_57 = arith.subi %div3A, %sub3A : i32
      %select_n3A = arith.select %and3A, %sub3A_57, %div3A : i32
      %mul3A_58 = arith.constant 16 : i32
      %mul3A_59 = arith.muli %select_n3A, %mul3A_58 : i32
      %sub3A_60 = arith.subi %scan3A_41, %mul3A_59 : i32
      %add3A_61 = arith.constant 256 : i32
      %add3A_62 = arith.addi %add3A_61, %mul3A_59 : i32
      %get3A = arith.index_cast %add3A_62 : i32 to index
      %get3A_63 = tpu.vector_load %arg8[%get3A] {strides = array<i32>} : memref<512xi32, #tpu.memory_space<vmem>>, vector<16xi32>,
      %add3A_64 = arith.constant 256 : i32
      %add3A_65 = arith.addi %add3A_64, %mul3A_59 : i32
      %get3A_66 = arith.index_cast %add3A_65 : i32 to index
      %get3A_67 = tpu.vector_load %arg9[%get3A_66] {strides = array<i32>} : memref<512xi32, #tpu.memory_space<vmem>>, vector<16xi32>,
      %eq3A = vector.broadcast %sub3A_60 : i32 to vector<16xi32>
      %eq3A_68 = arith.cmpi eq, %iota3A, %eq3A : vector<16xi32>
      %jit3A_69 = arith.constant 0 : i32
      %broadcast_in_dim3A = vector.broadcast %jit3A_69 : i32 to vector<16xi32>
      %select_n3A_70 = arith.select %eq3A_68, %get3A_63, %broadcast_in_dim3A : vector<16xi1>, vector<16xi32>
      %reduce_sum3A = arith.constant true
      %reduce_sum3A_71 = vector.broadcast %reduce_sum3A : i1 to vector<16xi1>
      %reduce_sum3A_72 = tpu.scan <sum>, %select_n3A_70 masked %reduce_sum3A_71 : vector<16xi32>, vector<16xi1> -> vector<16xi32>
      %reduce_sum3A_73 = vector.extract %reduce_sum3A_72[15] : i32 from vector<16xi32>
      %eq3A_74 = vector.broadcast %sub3A_60 : i32 to vector<16xi32>
      %eq3A_75 = arith.cmpi eq, %iota3A, %eq3A_74 : vector<16xi32>
      %jit3A_76 = arith.constant 0 : i32
      %broadcast_in_dim3A_77 = vector.broadcast %jit3A_76 : i32 to vector<16xi32>
      %select_n3A_78 = arith.select %eq3A_75, %get3A_67, %broadcast_in_dim3A_77 : vector<16xi1>, vector<16xi32>
      %reduce_sum3A_79 = arith.constant true
      %reduce_sum3A_80 = vector.broadcast %reduce_sum3A_79 : i1 to vector<16xi1>
      %reduce_sum3A_81 = tpu.scan <sum>, %select_n3A_78 masked %reduce_sum3A_80 : vector<16xi32>, vector<16xi1> -> vector<16xi32>
      %reduce_sum3A_82 = vector.extract %reduce_sum3A_81[15] : i32 from vector<16xi32>
      %dma_start3A = arith.constant 0 : i32
      %dma_start3A_83 = tpu.memref_slice %arg10[%scan3A_41, %dma_start3A] : memref<256x64xf32, #tpu.memory_space<vmem>> -> memref<1x64xf32, #tpu.memory_space<vmem>>
      %dma_start3A_84 = arith.constant 0 : i32
      %dma_start3A_85 = tpu.memref_slice %arg4[%reduce_sum3A_73, %dma_start3A_84] : memref<1000000x64xf32, #tpu.memory_space<hbm>> -> memref<1x64xf32, #tpu.memory_space<hbm>>
      %dma_start3A_86 = arith.constant 0 : i32
      %dma_start3A_87 = tpu.memref_slice %arg10[%scan3A_41, %dma_start3A_86] : memref<256x64xf32, #tpu.memory_space<vmem>> -> memref<1x64xf32, #tpu.memory_space<vmem>>
      %dma_start3A_88 = arith.constant 0 : i32
      %dma_start3A_89 = tpu.memref_slice %arg4[%reduce_sum3A_73, %dma_start3A_88] : memref<1000000x64xf32, #tpu.memory_space<hbm>> -> memref<1x64xf32, #tpu.memory_space<hbm>>
      tpu.enqueue_dma source(%dma_start3A_89 : memref<1x64xf32, #tpu.memory_space<hbm>>) target(%dma_start3A_87 : memref<1x64xf32, #tpu.memory_space<vmem>>) target_semaphore(%arg12 : memref<!tpu.dma_semaphore, #tpu.memory_space<semaphore_mem>>)
      %dma_start3A_90 = arith.constant 0 : i32
      %dma_start3A_91 = tpu.memref_slice %arg11[%scan3A_41, %dma_start3A_90] : memref<256x64xf32, #tpu.memory_space<vmem>> -> memref<1x64xf32, #tpu.memory_space<vmem>>
      %dma_start3A_92 = arith.constant 0 : i32
      %dma_start3A_93 = tpu.memref_slice %arg5[%reduce_sum3A_82, %dma_start3A_92] : memref<1000000x64xf32, #tpu.memory_space<hbm>> -> memref<1x64xf32, #tpu.memory_space<hbm>>
      %dma_start3A_94 = arith.constant 0 : i32
      %dma_start3A_95 = tpu.memref_slice %arg11[%scan3A_41, %dma_start3A_94] : memref<256x64xf32, #tpu.memory_space<vmem>> -> memref<1x64xf32, #tpu.memory_space<vmem>>
      %dma_start3A_96 = arith.constant 0 : i32
      %dma_start3A_97 = tpu.memref_slice %arg5[%reduce_sum3A_82, %dma_start3A_96] : memref<1000000x64xf32, #tpu.memory_space<hbm>> -> memref<1x64xf32, #tpu.memory_space<hbm>>
      tpu.enqueue_dma source(%dma_start3A_97 : memref<1x64xf32, #tpu.memory_space<hbm>>) target(%dma_start3A_95 : memref<1x64xf32, #tpu.memory_space<vmem>>) target_semaphore(%arg13 : memref<!tpu.dma_semaphore, #tpu.memory_space<semaphore_mem>>)
    }
    %scan3A_26 = arith.constant 256 : i32
    %dma_wait3A_27 = arith.constant 0 : i32
    %dma_wait3A_28 = arith.constant 0 : i32
    %dma_wait3A_29 = tpu.memref_slice %arg4[%dma_wait3A_27, %dma_wait3A_28] : memref<1000000x64xf32, #tpu.memory_space<hbm>> -> memref<256x64xf32, #tpu.memory_space<hbm>>
    %dma_wait3A_30 = arith.constant 0 : i32
    %dma_wait3A_31 = arith.constant 0 : i32
    %dma_wait3A_32 = tpu.memref_slice %arg4[%dma_wait3A_30, %dma_wait3A_31] : memref<1000000x64xf32, #tpu.memory_space<hbm>> -> memref<256x64xf32, #tpu.memory_space<hbm>>
    tpu.wait_dma2 semaphore(%arg12 : memref<!tpu.dma_semaphore, #tpu.memory_space<semaphore_mem>>) src(%dma_wait3A_32 : memref<256x64xf32, #tpu.memory_space<hbm>>) dst(%arg10 : memref<256x64xf32, #tpu.memory_space<vmem>>)
    %dma_wait3A_33 = arith.constant 0 : i32
    %dma_wait3A_34 = arith.constant 0 : i32
    %dma_wait3A_35 = tpu.memref_slice %arg5[%dma_wait3A_33, %dma_wait3A_34] : memref<1000000x64xf32, #tpu.memory_space<hbm>> -> memref<256x64xf32, #tpu.memory_space<hbm>>
    %dma_wait3A_36 = arith.constant 0 : i32
    %dma_wait3A_37 = arith.constant 0 : i32
    %dma_wait3A_38 = tpu.memref_slice %arg5[%dma_wait3A_36, %dma_wait3A_37] : memref<1000000x64xf32, #tpu.memory_space<hbm>> -> memref<256x64xf32, #tpu.memory_space<hbm>>
    tpu.wait_dma2 semaphore(%arg13 : memref<!tpu.dma_semaphore, #tpu.memory_space<semaphore_mem>>) src(%dma_wait3A_38 : memref<256x64xf32, #tpu.memory_space<hbm>>) dst(%arg11 : memref<256x64xf32, #tpu.memory_space<vmem>>)
    %add3A_39 = arith.constant 256 : i32
    %add3A_40 = arith.addi %mul3A_2, %add3A_39 : i32
    "tpu.region"() ({
      %run_scoped3A = tpu.sem_alloc : memref<!tpu.dma_semaphore, #tpu.memory_space<semaphore_mem>>
      %dma_start3A = arith.constant 0 : i32
      %dma_start3A_41 = tpu.memref_slice %arg6[%add3A_40, %dma_start3A] : memref<16384x64xf32, #tpu.memory_space<hbm>> -> memref<256x64xf32, #tpu.memory_space<hbm>>
      %dma_start3A_42 = arith.constant 0 : i32
      %dma_start3A_43 = tpu.memref_slice %arg6[%add3A_40, %dma_start3A_42] : memref<16384x64xf32, #tpu.memory_space<hbm>> -> memref<256x64xf32, #tpu.memory_space<hbm>>
      tpu.enqueue_dma source(%arg10 : memref<256x64xf32, #tpu.memory_space<vmem>>) target(%dma_start3A_43 : memref<256x64xf32, #tpu.memory_space<hbm>>) target_semaphore(%run_scoped3A : memref<!tpu.dma_semaphore, #tpu.memory_space<semaphore_mem>>)
      %dma_wait3A_44 = arith.constant 0 : i32
      %dma_wait3A_45 = tpu.memref_slice %arg6[%add3A_40, %dma_wait3A_44] : memref<16384x64xf32, #tpu.memory_space<hbm>> -> memref<256x64xf32, #tpu.memory_space<hbm>>
      %dma_wait3A_46 = arith.constant 0 : i32
      %dma_wait3A_47 = tpu.memref_slice %arg6[%add3A_40, %dma_wait3A_46] : memref<16384x64xf32, #tpu.memory_space<hbm>> -> memref<256x64xf32, #tpu.memory_space<hbm>>
      tpu.wait_dma2 semaphore(%run_scoped3A : memref<!tpu.dma_semaphore, #tpu.memory_space<semaphore_mem>>) src(%arg10 : memref<256x64xf32, #tpu.memory_space<vmem>>) dst(%dma_wait3A_47 : memref<256x64xf32, #tpu.memory_space<hbm>>)
      tpu.yield
    }) : () -> ()
    "tpu.region"() ({
      %run_scoped3A = tpu.sem_alloc : memref<!tpu.dma_semaphore, #tpu.memory_space<semaphore_mem>>
      %dma_start3A = arith.constant 0 : i32
      %dma_start3A_41 = tpu.memref_slice %arg7[%add3A_40, %dma_start3A] : memref<16384x64xf32, #tpu.memory_space<hbm>> -> memref<256x64xf32, #tpu.memory_space<hbm>>
      %dma_start3A_42 = arith.constant 0 : i32
      %dma_start3A_43 = tpu.memref_slice %arg7[%add3A_40, %dma_start3A_42] : memref<16384x64xf32, #tpu.memory_space<hbm>> -> memref<256x64xf32, #tpu.memory_space<hbm>>
      tpu.enqueue_dma source(%arg11 : memref<256x64xf32, #tpu.memory_space<vmem>>) target(%dma_start3A_43 : memref<256x64xf32, #tpu.memory_space<hbm>>) target_semaphore(%run_scoped3A : memref<!tpu.dma_semaphore, #tpu.memory_space<semaphore_mem>>)
      %dma_wait3A_44 = arith.constant 0 : i32
      %dma_wait3A_45 = tpu.memref_slice %arg7[%add3A_40, %dma_wait3A_44] : memref<16384x64xf32, #tpu.memory_space<hbm>> -> memref<256x64xf32, #tpu.memory_space<hbm>>
      %dma_wait3A_46 = arith.constant 0 : i32
      %dma_wait3A_47 = tpu.memref_slice %arg7[%add3A_40, %dma_wait3A_46] : memref<16384x64xf32, #tpu.memory_space<hbm>> -> memref<256x64xf32, #tpu.memory_space<hbm>>
      tpu.wait_dma2 semaphore(%run_scoped3A : memref<!tpu.dma_semaphore, #tpu.memory_space<semaphore_mem>>) src(%arg11 : memref<256x64xf32, #tpu.memory_space<vmem>>) dst(%dma_wait3A_47 : memref<256x64xf32, #tpu.memory_space<hbm>>)
      tpu.yield
    }) : () -> ()
    return
  }
}

module attributes {stable_mosaic.version = 14 : i64} {
  func.func @_mlp_body(%arg0: i32, %arg1: memref<1024x64xf32, #tpu.memory_space<vmem>>, %arg2: memref<1024x64xf32, #tpu.memory_space<vmem>>, %arg3: memref<64x256xf32, #tpu.memory_space<vmem>>, %arg4: memref<64x256xf32, #tpu.memory_space<vmem>>, %arg5: memref<1x256xf32, #tpu.memory_space<vmem>>, %arg6: memref<1x256xf32, #tpu.memory_space<vmem>>, %arg7: memref<1x256xf32, #tpu.memory_space<vmem>>, %arg8: memref<256x128xf32, #tpu.memory_space<vmem>>, %arg9: memref<1x128xf32, #tpu.memory_space<vmem>>, %arg10: memref<1x128xf32, #tpu.memory_space<vmem>>, %arg11: memref<1x128xf32, #tpu.memory_space<vmem>>, %arg12: memref<128x64xf32, #tpu.memory_space<vmem>>, %arg13: memref<1x64xf32, #tpu.memory_space<vmem>>, %arg14: memref<1x64xf32, #tpu.memory_space<vmem>>, %arg15: memref<1x64xf32, #tpu.memory_space<vmem>>, %arg16: memref<1x64xf32, #tpu.memory_space<vmem>>, %arg17: memref<1x1xf32, #tpu.memory_space<vmem>>, %arg18: memref<1024x1xf32, #tpu.memory_space<vmem>>) attributes {dimension_semantics = [#tpu.dimension_semantics<arbitrary>], iteration_bounds = array<i64: 16>, scalar_prefetch = 0 : i64, scratch_operands = 0 : i64, tpu.core_type = #tpu.core_type<tc>, window_params = [{transform_indices = @transform_0, window_bounds = array<i64: 1024, 64>}, {transform_indices = @transform_1, window_bounds = array<i64: 1024, 64>}, {pipeline_mode = #tpu.pipeline_mode<synchronous>, transform_indices = @transform_2, window_bounds = array<i64: 64, 256>}, {pipeline_mode = #tpu.pipeline_mode<synchronous>, transform_indices = @transform_3, window_bounds = array<i64: 64, 256>}, {pipeline_mode = #tpu.pipeline_mode<synchronous>, transform_indices = @transform_4, window_bounds = array<i64: 1, 256>}, {pipeline_mode = #tpu.pipeline_mode<synchronous>, transform_indices = @transform_5, window_bounds = array<i64: 1, 256>}, {pipeline_mode = #tpu.pipeline_mode<synchronous>, transform_indices = @transform_6, window_bounds = array<i64: 1, 256>}, {pipeline_mode = #tpu.pipeline_mode<synchronous>, transform_indices = @transform_7, window_bounds = array<i64: 256, 128>}, {pipeline_mode = #tpu.pipeline_mode<synchronous>, transform_indices = @transform_8, window_bounds = array<i64: 1, 128>}, {pipeline_mode = #tpu.pipeline_mode<synchronous>, transform_indices = @transform_9, window_bounds = array<i64: 1, 128>}, {pipeline_mode = #tpu.pipeline_mode<synchronous>, transform_indices = @transform_10, window_bounds = array<i64: 1, 128>}, {pipeline_mode = #tpu.pipeline_mode<synchronous>, transform_indices = @transform_11, window_bounds = array<i64: 128, 64>}, {pipeline_mode = #tpu.pipeline_mode<synchronous>, transform_indices = @transform_12, window_bounds = array<i64: 1, 64>}, {pipeline_mode = #tpu.pipeline_mode<synchronous>, transform_indices = @transform_13, window_bounds = array<i64: 1, 64>}, {pipeline_mode = #tpu.pipeline_mode<synchronous>, transform_indices = @transform_14, window_bounds = array<i64: 1, 64>}, {pipeline_mode = #tpu.pipeline_mode<synchronous>, transform_indices = @transform_15, window_bounds = array<i64: 1, 64>}, {pipeline_mode = #tpu.pipeline_mode<synchronous>, transform_indices = @transform_16, window_bounds = array<i64: 1, 1>}, {transform_indices = @transform_17, window_bounds = array<i64: 1024, 1>}]} {
    %get3A = arith.constant 0 : index
    %get3A_0 = arith.constant 0 : index
    %get3A_1 = vector.load %arg1[%get3A, %get3A_0] : memref<1024x64xf32, #tpu.memory_space<vmem>>, vector<1024x64xf32>
    %get3A_2 = arith.constant 0 : index
    %get3A_3 = arith.constant 0 : index
    %get3A_4 = vector.load %arg3[%get3A_2, %get3A_3] : memref<64x256xf32, #tpu.memory_space<vmem>>, vector<64x256xf32>
    %dot_general3A = arith.constant dense<0.000000e+00> : vector<1024x256xf32>
    %dot_general3A_5 = tpu.matmul %get3A_1, %get3A_4, %dot_general3A {dimension_numbers = #tpu.dot_dimension_numbers<[1], [0], [0], [1], [0, 0, 1, 1], [], []>, transpose_lhs_hint = false} : vector<1024x64xf32>, vector<64x256xf32>, vector<1024x256xf32> -> vector<1024x256xf32>
    %get3A_6 = arith.constant 0 : index
    %get3A_7 = arith.constant 0 : index
    %get3A_8 = vector.load %arg2[%get3A_6, %get3A_7] : memref<1024x64xf32, #tpu.memory_space<vmem>>, vector<1024x64xf32>
    %get3A_9 = arith.constant 0 : index
    %get3A_10 = arith.constant 0 : index
    %get3A_11 = vector.load %arg4[%get3A_9, %get3A_10] : memref<64x256xf32, #tpu.memory_space<vmem>>, vector<64x256xf32>
    %dot_general3A_12 = arith.constant dense<0.000000e+00> : vector<1024x256xf32>
    %dot_general3A_13 = tpu.matmul %get3A_8, %get3A_11, %dot_general3A_12 {dimension_numbers = #tpu.dot_dimension_numbers<[1], [0], [0], [1], [0, 0, 1, 1], [], []>, transpose_lhs_hint = false} : vector<1024x64xf32>, vector<64x256xf32>, vector<1024x256xf32> -> vector<1024x256xf32>
    %add3A = arith.addf %dot_general3A_5, %dot_general3A_13 : vector<1024x256xf32>
    %get3A_14 = arith.constant 0 : index
    %get3A_15 = arith.constant 0 : index
    %get3A_16 = vector.load %arg5[%get3A_14, %get3A_15] : memref<1x256xf32, #tpu.memory_space<vmem>>, vector<1x256xf32>
    %add3A_17 = vector.broadcast %get3A_16 : vector<1x256xf32> to vector<1024x256xf32>
    %add3A_18 = arith.addf %add3A, %add3A_17 : vector<1024x256xf32>
    %get3A_19 = arith.constant 0 : index
    %get3A_20 = arith.constant 0 : index
    %get3A_21 = vector.load %arg6[%get3A_19, %get3A_20] : memref<1x256xf32, #tpu.memory_space<vmem>>, vector<1x256xf32>
    %get3A_22 = arith.constant 0 : index
    %get3A_23 = arith.constant 0 : index
    %get3A_24 = vector.load %arg7[%get3A_22, %get3A_23] : memref<1x256xf32, #tpu.memory_space<vmem>>, vector<1x256xf32>
    %reduce_sum3A = arith.constant dense<0.000000e+00> : vector<1024xf32>
    %reduce_sum3A_25 = vector.multi_reduction <add>, %add3A_18, %reduce_sum3A [1] : vector<1024x256xf32> to vector<1024xf32>
    %broadcast_in_dim3A = vector.shape_cast %reduce_sum3A_25 : vector<1024xf32> to vector<1024x1xf32>
    %div3A = arith.constant 2.560000e+02 : f32
    %div3A_26 = vector.broadcast %div3A : f32 to vector<1024x1xf32>
    %div3A_27 = arith.divf %broadcast_in_dim3A, %div3A_26 : vector<1024x1xf32>
    %sub3A = vector.broadcast %div3A_27 : vector<1024x1xf32> to vector<1024x256xf32>
    %sub3A_28 = arith.subf %add3A_18, %sub3A : vector<1024x256xf32>
    %integer_pow3A = arith.mulf %sub3A_28, %sub3A_28 : vector<1024x256xf32>
    %reduce_sum3A_29 = arith.constant dense<0.000000e+00> : vector<1024xf32>
    %reduce_sum3A_30 = vector.multi_reduction <add>, %integer_pow3A, %reduce_sum3A_29 [1] : vector<1024x256xf32> to vector<1024xf32>
    %broadcast_in_dim3A_31 = vector.shape_cast %reduce_sum3A_30 : vector<1024xf32> to vector<1024x1xf32>
    %div3A_32 = arith.constant 2.560000e+02 : f32
    %div3A_33 = vector.broadcast %div3A_32 : f32 to vector<1024x1xf32>
    %div3A_34 = arith.divf %broadcast_in_dim3A_31, %div3A_33 : vector<1024x1xf32>
    %sub3A_35 = vector.broadcast %div3A_27 : vector<1024x1xf32> to vector<1024x256xf32>
    %sub3A_36 = arith.subf %add3A_18, %sub3A_35 : vector<1024x256xf32>
    %add3A_37 = arith.constant 9.99999974E-6 : f32
    %add3A_38 = vector.broadcast %add3A_37 : f32 to vector<1024x1xf32>
    %add3A_39 = arith.addf %div3A_34, %add3A_38 : vector<1024x1xf32>
    %sqrt3A = math.sqrt %add3A_39 : vector<1024x1xf32>
    %div3A_40 = vector.broadcast %sqrt3A : vector<1024x1xf32> to vector<1024x256xf32>
    %div3A_41 = arith.divf %sub3A_36, %div3A_40 : vector<1024x256xf32>
    %mul3A = vector.broadcast %get3A_21 : vector<1x256xf32> to vector<1024x256xf32>
    %mul3A_42 = arith.mulf %div3A_41, %mul3A : vector<1024x256xf32>
    %add3A_43 = vector.broadcast %get3A_24 : vector<1x256xf32> to vector<1024x256xf32>
    %add3A_44 = arith.addf %mul3A_42, %add3A_43 : vector<1024x256xf32>
    %mul3A_45 = arith.constant 5.000000e-01 : f32
    %mul3A_46 = vector.broadcast %mul3A_45 : f32 to vector<1024x256xf32>
    %mul3A_47 = arith.mulf %mul3A_46, %add3A_44 : vector<1024x256xf32>
    %mul3A_48 = arith.constant 0.707106769 : f32
    %mul3A_49 = vector.broadcast %mul3A_48 : f32 to vector<1024x256xf32>
    %mul3A_50 = arith.mulf %add3A_44, %mul3A_49 : vector<1024x256xf32>
    %erf3A = math.erf %mul3A_50 : vector<1024x256xf32>
    %add3A_51 = arith.constant 1.000000e+00 : f32
    %add3A_52 = vector.broadcast %add3A_51 : f32 to vector<1024x256xf32>
    %add3A_53 = arith.addf %add3A_52, %erf3A : vector<1024x256xf32>
    %mul3A_54 = arith.mulf %mul3A_47, %add3A_53 : vector<1024x256xf32>
    %get3A_55 = arith.constant 0 : index
    %get3A_56 = arith.constant 0 : index
    %get3A_57 = vector.load %arg8[%get3A_55, %get3A_56] : memref<256x128xf32, #tpu.memory_space<vmem>>, vector<256x128xf32>
    %dot_general3A_58 = arith.constant dense<0.000000e+00> : vector<1024x128xf32>
    %dot_general3A_59 = tpu.matmul %mul3A_54, %get3A_57, %dot_general3A_58 {dimension_numbers = #tpu.dot_dimension_numbers<[1], [0], [0], [1], [0, 0, 1, 1], [], []>, transpose_lhs_hint = false} : vector<1024x256xf32>, vector<256x128xf32>, vector<1024x128xf32> -> vector<1024x128xf32>
    %get3A_60 = arith.constant 0 : index
    %get3A_61 = arith.constant 0 : index
    %get3A_62 = vector.load %arg9[%get3A_60, %get3A_61] : memref<1x128xf32, #tpu.memory_space<vmem>>, vector<1x128xf32>
    %add3A_63 = vector.broadcast %get3A_62 : vector<1x128xf32> to vector<1024x128xf32>
    %add3A_64 = arith.addf %dot_general3A_59, %add3A_63 : vector<1024x128xf32>
    %get3A_65 = arith.constant 0 : index
    %get3A_66 = arith.constant 0 : index
    %get3A_67 = vector.load %arg10[%get3A_65, %get3A_66] : memref<1x128xf32, #tpu.memory_space<vmem>>, vector<1x128xf32>
    %get3A_68 = arith.constant 0 : index
    %get3A_69 = arith.constant 0 : index
    %get3A_70 = vector.load %arg11[%get3A_68, %get3A_69] : memref<1x128xf32, #tpu.memory_space<vmem>>, vector<1x128xf32>
    %reduce_sum3A_71 = arith.constant dense<0.000000e+00> : vector<1024xf32>
    %reduce_sum3A_72 = vector.multi_reduction <add>, %add3A_64, %reduce_sum3A_71 [1] : vector<1024x128xf32> to vector<1024xf32>
    %broadcast_in_dim3A_73 = vector.shape_cast %reduce_sum3A_72 : vector<1024xf32> to vector<1024x1xf32>
    %div3A_74 = arith.constant 1.280000e+02 : f32
    %div3A_75 = vector.broadcast %div3A_74 : f32 to vector<1024x1xf32>
    %div3A_76 = arith.divf %broadcast_in_dim3A_73, %div3A_75 : vector<1024x1xf32>
    %sub3A_77 = vector.broadcast %div3A_76 : vector<1024x1xf32> to vector<1024x128xf32>
    %sub3A_78 = arith.subf %add3A_64, %sub3A_77 : vector<1024x128xf32>
    %integer_pow3A_79 = arith.mulf %sub3A_78, %sub3A_78 : vector<1024x128xf32>
    %reduce_sum3A_80 = arith.constant dense<0.000000e+00> : vector<1024xf32>
    %reduce_sum3A_81 = vector.multi_reduction <add>, %integer_pow3A_79, %reduce_sum3A_80 [1] : vector<1024x128xf32> to vector<1024xf32>
    %broadcast_in_dim3A_82 = vector.shape_cast %reduce_sum3A_81 : vector<1024xf32> to vector<1024x1xf32>
    %div3A_83 = arith.constant 1.280000e+02 : f32
    %div3A_84 = vector.broadcast %div3A_83 : f32 to vector<1024x1xf32>
    %div3A_85 = arith.divf %broadcast_in_dim3A_82, %div3A_84 : vector<1024x1xf32>
    %sub3A_86 = vector.broadcast %div3A_76 : vector<1024x1xf32> to vector<1024x128xf32>
    %sub3A_87 = arith.subf %add3A_64, %sub3A_86 : vector<1024x128xf32>
    %add3A_88 = arith.constant 9.99999974E-6 : f32
    %add3A_89 = vector.broadcast %add3A_88 : f32 to vector<1024x1xf32>
    %add3A_90 = arith.addf %div3A_85, %add3A_89 : vector<1024x1xf32>
    %sqrt3A_91 = math.sqrt %add3A_90 : vector<1024x1xf32>
    %div3A_92 = vector.broadcast %sqrt3A_91 : vector<1024x1xf32> to vector<1024x128xf32>
    %div3A_93 = arith.divf %sub3A_87, %div3A_92 : vector<1024x128xf32>
    %mul3A_94 = vector.broadcast %get3A_67 : vector<1x128xf32> to vector<1024x128xf32>
    %mul3A_95 = arith.mulf %div3A_93, %mul3A_94 : vector<1024x128xf32>
    %add3A_96 = vector.broadcast %get3A_70 : vector<1x128xf32> to vector<1024x128xf32>
    %add3A_97 = arith.addf %mul3A_95, %add3A_96 : vector<1024x128xf32>
    %mul3A_98 = arith.constant 5.000000e-01 : f32
    %mul3A_99 = vector.broadcast %mul3A_98 : f32 to vector<1024x128xf32>
    %mul3A_100 = arith.mulf %mul3A_99, %add3A_97 : vector<1024x128xf32>
    %mul3A_101 = arith.constant 0.707106769 : f32
    %mul3A_102 = vector.broadcast %mul3A_101 : f32 to vector<1024x128xf32>
    %mul3A_103 = arith.mulf %add3A_97, %mul3A_102 : vector<1024x128xf32>
    %erf3A_104 = math.erf %mul3A_103 : vector<1024x128xf32>
    %add3A_105 = arith.constant 1.000000e+00 : f32
    %add3A_106 = vector.broadcast %add3A_105 : f32 to vector<1024x128xf32>
    %add3A_107 = arith.addf %add3A_106, %erf3A_104 : vector<1024x128xf32>
    %mul3A_108 = arith.mulf %mul3A_100, %add3A_107 : vector<1024x128xf32>
    %get3A_109 = arith.constant 0 : index
    %get3A_110 = arith.constant 0 : index
    %get3A_111 = vector.load %arg12[%get3A_109, %get3A_110] : memref<128x64xf32, #tpu.memory_space<vmem>>, vector<128x64xf32>
    %dot_general3A_112 = arith.constant dense<0.000000e+00> : vector<1024x64xf32>
    %dot_general3A_113 = tpu.matmul %mul3A_108, %get3A_111, %dot_general3A_112 {dimension_numbers = #tpu.dot_dimension_numbers<[1], [0], [0], [1], [0, 0, 1, 1], [], []>, transpose_lhs_hint = false} : vector<1024x128xf32>, vector<128x64xf32>, vector<1024x64xf32> -> vector<1024x64xf32>
    %get3A_114 = arith.constant 0 : index
    %get3A_115 = arith.constant 0 : index
    %get3A_116 = vector.load %arg13[%get3A_114, %get3A_115] : memref<1x64xf32, #tpu.memory_space<vmem>>, vector<1x64xf32>
    %add3A_117 = vector.broadcast %get3A_116 : vector<1x64xf32> to vector<1024x64xf32>
    %add3A_118 = arith.addf %dot_general3A_113, %add3A_117 : vector<1024x64xf32>
    %get3A_119 = arith.constant 0 : index
    %get3A_120 = arith.constant 0 : index
    %get3A_121 = vector.load %arg14[%get3A_119, %get3A_120] : memref<1x64xf32, #tpu.memory_space<vmem>>, vector<1x64xf32>
    %get3A_122 = arith.constant 0 : index
    %get3A_123 = arith.constant 0 : index
    %get3A_124 = vector.load %arg15[%get3A_122, %get3A_123] : memref<1x64xf32, #tpu.memory_space<vmem>>, vector<1x64xf32>
    %reduce_sum3A_125 = arith.constant dense<0.000000e+00> : vector<1024xf32>
    %reduce_sum3A_126 = vector.multi_reduction <add>, %add3A_118, %reduce_sum3A_125 [1] : vector<1024x64xf32> to vector<1024xf32>
    %broadcast_in_dim3A_127 = vector.shape_cast %reduce_sum3A_126 : vector<1024xf32> to vector<1024x1xf32>
    %div3A_128 = arith.constant 6.400000e+01 : f32
    %div3A_129 = vector.broadcast %div3A_128 : f32 to vector<1024x1xf32>
    %div3A_130 = arith.divf %broadcast_in_dim3A_127, %div3A_129 : vector<1024x1xf32>
    %sub3A_131 = vector.broadcast %div3A_130 : vector<1024x1xf32> to vector<1024x64xf32>
    %sub3A_132 = arith.subf %add3A_118, %sub3A_131 : vector<1024x64xf32>
    %integer_pow3A_133 = arith.mulf %sub3A_132, %sub3A_132 : vector<1024x64xf32>
    %reduce_sum3A_134 = arith.constant dense<0.000000e+00> : vector<1024xf32>
    %reduce_sum3A_135 = vector.multi_reduction <add>, %integer_pow3A_133, %reduce_sum3A_134 [1] : vector<1024x64xf32> to vector<1024xf32>
    %broadcast_in_dim3A_136 = vector.shape_cast %reduce_sum3A_135 : vector<1024xf32> to vector<1024x1xf32>
    %div3A_137 = arith.constant 6.400000e+01 : f32
    %div3A_138 = vector.broadcast %div3A_137 : f32 to vector<1024x1xf32>
    %div3A_139 = arith.divf %broadcast_in_dim3A_136, %div3A_138 : vector<1024x1xf32>
    %sub3A_140 = vector.broadcast %div3A_130 : vector<1024x1xf32> to vector<1024x64xf32>
    %sub3A_141 = arith.subf %add3A_118, %sub3A_140 : vector<1024x64xf32>
    %add3A_142 = arith.constant 9.99999974E-6 : f32
    %add3A_143 = vector.broadcast %add3A_142 : f32 to vector<1024x1xf32>
    %add3A_144 = arith.addf %div3A_139, %add3A_143 : vector<1024x1xf32>
    %sqrt3A_145 = math.sqrt %add3A_144 : vector<1024x1xf32>
    %div3A_146 = vector.broadcast %sqrt3A_145 : vector<1024x1xf32> to vector<1024x64xf32>
    %div3A_147 = arith.divf %sub3A_141, %div3A_146 : vector<1024x64xf32>
    %mul3A_148 = vector.broadcast %get3A_121 : vector<1x64xf32> to vector<1024x64xf32>
    %mul3A_149 = arith.mulf %div3A_147, %mul3A_148 : vector<1024x64xf32>
    %add3A_150 = vector.broadcast %get3A_124 : vector<1x64xf32> to vector<1024x64xf32>
    %add3A_151 = arith.addf %mul3A_149, %add3A_150 : vector<1024x64xf32>
    %mul3A_152 = arith.constant 5.000000e-01 : f32
    %mul3A_153 = vector.broadcast %mul3A_152 : f32 to vector<1024x64xf32>
    %mul3A_154 = arith.mulf %mul3A_153, %add3A_151 : vector<1024x64xf32>
    %mul3A_155 = arith.constant 0.707106769 : f32
    %mul3A_156 = vector.broadcast %mul3A_155 : f32 to vector<1024x64xf32>
    %mul3A_157 = arith.mulf %add3A_151, %mul3A_156 : vector<1024x64xf32>
    %erf3A_158 = math.erf %mul3A_157 : vector<1024x64xf32>
    %add3A_159 = arith.constant 1.000000e+00 : f32
    %add3A_160 = vector.broadcast %add3A_159 : f32 to vector<1024x64xf32>
    %add3A_161 = arith.addf %add3A_160, %erf3A_158 : vector<1024x64xf32>
    %mul3A_162 = arith.mulf %mul3A_154, %add3A_161 : vector<1024x64xf32>
    %get3A_163 = arith.constant 0 : index
    %get3A_164 = arith.constant 0 : index
    %get3A_165 = vector.load %arg16[%get3A_163, %get3A_164] : memref<1x64xf32, #tpu.memory_space<vmem>>, vector<1x64xf32>
    %mul3A_166 = vector.broadcast %get3A_165 : vector<1x64xf32> to vector<1024x64xf32>
    %mul3A_167 = arith.mulf %mul3A_162, %mul3A_166 : vector<1024x64xf32>
    %reduce_sum3A_168 = arith.constant dense<0.000000e+00> : vector<1024xf32>
    %reduce_sum3A_169 = vector.multi_reduction <add>, %mul3A_167, %reduce_sum3A_168 [1] : vector<1024x64xf32> to vector<1024xf32>
    %broadcast_in_dim3A_170 = vector.shape_cast %reduce_sum3A_169 : vector<1024xf32> to vector<1024x1xf32>
    %get3A_171 = arith.constant 0 : index
    %get3A_172 = arith.constant 0 : index
    %get3A_173 = vector.load %arg17[%get3A_171, %get3A_172] : memref<1x1xf32, #tpu.memory_space<vmem>>, vector<1x1xf32>
    %add3A_174 = vector.broadcast %get3A_173 : vector<1x1xf32> to vector<1024x1xf32>
    %add3A_175 = arith.addf %broadcast_in_dim3A_170, %add3A_174 : vector<1024x1xf32>
    %swap3A = arith.constant 0 : index
    %swap3A_176 = arith.constant 0 : index
    %swap3A_177 = vector.load %arg18[%swap3A, %swap3A_176] : memref<1024x1xf32, #tpu.memory_space<vmem>>, vector<1024x1xf32>
    tpu.vector_store %arg18[%swap3A, %swap3A_176], %add3A_175 {strides = array<i32>} : memref<1024x1xf32, #tpu.memory_space<vmem>>, vector<1024x1xf32>,
    return
  }
  func.func @transform_0(%arg0: i32) -> (i32, i32) {
    %c0_i32 = arith.constant 0 : i32
    %c0_i32_0 = arith.constant 0 : i32
    return %arg0, %c0_i32 : i32, i32
  }
  func.func @transform_1(%arg0: i32) -> (i32, i32) {
    %c0_i32 = arith.constant 0 : i32
    %c0_i32_0 = arith.constant 0 : i32
    return %arg0, %c0_i32 : i32, i32
  }
  func.func @transform_2(%arg0: i32) -> (i32, i32) {
    %c0_i32 = arith.constant 0 : i32
    %c0_i32_0 = arith.constant 0 : i32
    %c0_i32_1 = arith.constant 0 : i32
    return %c0_i32, %c0_i32_0 : i32, i32
  }
  func.func @transform_3(%arg0: i32) -> (i32, i32) {
    %c0_i32 = arith.constant 0 : i32
    %c0_i32_0 = arith.constant 0 : i32
    %c0_i32_1 = arith.constant 0 : i32
    return %c0_i32, %c0_i32_0 : i32, i32
  }
  func.func @transform_4(%arg0: i32) -> (i32, i32) {
    %c0_i32 = arith.constant 0 : i32
    %c0_i32_0 = arith.constant 0 : i32
    %c0_i32_1 = arith.constant 0 : i32
    return %c0_i32, %c0_i32_0 : i32, i32
  }
  func.func @transform_5(%arg0: i32) -> (i32, i32) {
    %c0_i32 = arith.constant 0 : i32
    %c0_i32_0 = arith.constant 0 : i32
    %c0_i32_1 = arith.constant 0 : i32
    return %c0_i32, %c0_i32_0 : i32, i32
  }
  func.func @transform_6(%arg0: i32) -> (i32, i32) {
    %c0_i32 = arith.constant 0 : i32
    %c0_i32_0 = arith.constant 0 : i32
    %c0_i32_1 = arith.constant 0 : i32
    return %c0_i32, %c0_i32_0 : i32, i32
  }
  func.func @transform_7(%arg0: i32) -> (i32, i32) {
    %c0_i32 = arith.constant 0 : i32
    %c0_i32_0 = arith.constant 0 : i32
    %c0_i32_1 = arith.constant 0 : i32
    return %c0_i32, %c0_i32_0 : i32, i32
  }
  func.func @transform_8(%arg0: i32) -> (i32, i32) {
    %c0_i32 = arith.constant 0 : i32
    %c0_i32_0 = arith.constant 0 : i32
    %c0_i32_1 = arith.constant 0 : i32
    return %c0_i32, %c0_i32_0 : i32, i32
  }
  func.func @transform_9(%arg0: i32) -> (i32, i32) {
    %c0_i32 = arith.constant 0 : i32
    %c0_i32_0 = arith.constant 0 : i32
    %c0_i32_1 = arith.constant 0 : i32
    return %c0_i32, %c0_i32_0 : i32, i32
  }
  func.func @transform_10(%arg0: i32) -> (i32, i32) {
    %c0_i32 = arith.constant 0 : i32
    %c0_i32_0 = arith.constant 0 : i32
    %c0_i32_1 = arith.constant 0 : i32
    return %c0_i32, %c0_i32_0 : i32, i32
  }
  func.func @transform_11(%arg0: i32) -> (i32, i32) {
    %c0_i32 = arith.constant 0 : i32
    %c0_i32_0 = arith.constant 0 : i32
    %c0_i32_1 = arith.constant 0 : i32
    return %c0_i32, %c0_i32_0 : i32, i32
  }
  func.func @transform_12(%arg0: i32) -> (i32, i32) {
    %c0_i32 = arith.constant 0 : i32
    %c0_i32_0 = arith.constant 0 : i32
    %c0_i32_1 = arith.constant 0 : i32
    return %c0_i32, %c0_i32_0 : i32, i32
  }
  func.func @transform_13(%arg0: i32) -> (i32, i32) {
    %c0_i32 = arith.constant 0 : i32
    %c0_i32_0 = arith.constant 0 : i32
    %c0_i32_1 = arith.constant 0 : i32
    return %c0_i32, %c0_i32_0 : i32, i32
  }
  func.func @transform_14(%arg0: i32) -> (i32, i32) {
    %c0_i32 = arith.constant 0 : i32
    %c0_i32_0 = arith.constant 0 : i32
    %c0_i32_1 = arith.constant 0 : i32
    return %c0_i32, %c0_i32_0 : i32, i32
  }
  func.func @transform_15(%arg0: i32) -> (i32, i32) {
    %c0_i32 = arith.constant 0 : i32
    %c0_i32_0 = arith.constant 0 : i32
    %c0_i32_1 = arith.constant 0 : i32
    return %c0_i32, %c0_i32_0 : i32, i32
  }
  func.func @transform_16(%arg0: i32) -> (i32, i32) {
    %c0_i32 = arith.constant 0 : i32
    %c0_i32_0 = arith.constant 0 : i32
    %c0_i32_1 = arith.constant 0 : i32
    return %c0_i32, %c0_i32_0 : i32, i32
  }
  func.func @transform_17(%arg0: i32) -> (i32, i32) {
    %c0_i32 = arith.constant 0 : i32
    %c0_i32_0 = arith.constant 0 : i32
    return %arg0, %c0_i32 : i32, i32
  }
}

</mosaic_0001>

<sc_bundles>
// kernel: kernel.4.cloned.1.call-start
scs
__scs_entry_jumppad:
0x0: {  	(pc) =	sbr.rel $0x88, $3  }
0x1: {  	(tag) =	ssettag $0x0;
	lr =	simm.s32 $0x1  }
0x2: {  	[smem:$0x3F8F] =	sst lr;
	_ =	strace $0xD0000000  }
0x3: {  	_ = 	snop  }
0x4: {  	_ = 	snop  }
0x5: {  	_ = 	snop  }
0x6: {  	_ = 	snop  }
0x7: {  	_ = 	snop  }
__scs_overlays_trampoline_lowered:
0x8: {  	[smem:$0x3F9E] =	sst s0  }
0x9: {  	[smem:$0x3F9F] =	sst s1  }
0xa: {  	[smem:$0x3FA0] =	sst s2  }
0xb: {  	[smem:$0x3FA1] =	sst s3  }
0xc: {  	[smem:$0x3FA2] =	sst s4  }
0xd: {  	[smem:$0x3FA3] =	sst s5  }
0xe: {  	[smem:$0x3FA4] =	sst s6  }
0xf: {  	[smem:$0x3FA5] =	sst s7  }
0x10: {  	[smem:$0x3FA6] =	sst s8  }
0x11: {  	[smem:$0x3FA7] =	sst s9;
	s0 =	simm.s32 @!p0 $0x0  }
0x12: {  	s1 =	sld [smem:$0x3F8D];
	s0 =	simm.s32 @p0 $0x1  }
0x13: {  	[smem:$0x3FA8] =	sst s0;
	s0 =	simm.s32 @!p1 $0x0  }
0x14: {  	s2 =	sld [smem:$0x3F8C];
	s0 =	simm.s32 @p1 $0x1  }
0x15: {  	[smem:$0x3FA9] =	sst s0;
	s0 =	simm.s32 @!p2 $0x0  }
0x16: {  	s3 =	sld [smem:$0x3FDB];
	s0 =	simm.s32 @p2 $0x1  }
0x17: {  	s4 =	simm.s32 $0x1BF5;
	[smem:$0x3FAB] =	sst s0  }
0x18: {  	s0 =	sld [smem:$0x3F8E];
	_ =	swait.ge [sflag:s4], $0x0  }
0x19: {  	s7 =	sld [smem:$0x3F8F]  }
0x1a: {  	s8 =	sadd.s32 $0xFFFFE003, lr  }
0x1b: {  	s9 =	sadd.s32 $0xFFFFFEF7, lr;
	s5 =	simm.s32 $0xFFFFFFFF;
	p2 =	slt.u32 s8, $0xFFFFF086  }
0x1c: {  	p1 =	slt.u32 s9, $0xF7A;
	s5 =	simm.s32 @!p2 $0x0  }
0x1d: {  	s5 =	simm.s32 @p1 $0x1;
	p0 =	seq.s32 s7, s2  }
0x1e: {  	s7 =	smul.u32 @!p0 $0xF7A, s2;
	p2 =	seq.s32 @!p0 s5, $0x0  }
0x1f: {  	s9 =	smul.u32 $0xF7A, s1;
	s8 =	simm.s32 @!p0 $0x1BF5;
	p2 =	por !p2, p0  }
0x20: {  	[sflag:s8] =	ssyncset.s32 @!p0 $0xFFFFF086;
	s6 =	sadd.s32 @!p0 s3, s7;
	s7 =	simm.s32 @!p0 $0x108  }
0x21: {  	s3 =	sadd.s32 s3, s9;
	s6 =	sadd.s32 @!p0 $0x88, s6;
	s7 =	simm.s32 @p2 $0x1082  }
0x22: {  	[simem:s7], [sflag:s8] =	dma.local @!p0 [hbm:s6], $0xF7A  }
0x23: {  	s9 =	sor.u32 $0xD0000000, s2;
	s6 =	simm.s32 $0x108;
	_ =	swait.ge @!p0 [sflag:s8], $0x0  }
0x24: {  	s3 =	sadd.s32 $0x88, s3;
	s6 =	simm.s32 @!p1 $0x1082;
	[sflag:s4] =	ssyncset.s32 $0xFFFFF086  }
0x25: {  	[simem:s6], [sflag:s4] =	dma.local [hbm:s3], $0xF7A  }
0x26: {  	[smem:$0x3F8F] =	sst s1;
	(tag) =	ssettag s2;
	_ =	strace s9  }
0x27: {  	s1 =	sld [smem:$0x3F9F]  }
0x28: {  	s2 =	sld [smem:$0x3FA0]  }
0x29: {  	s4 =	sld [smem:$0x3FA2]  }
0x2a: {  	p0 =	seq.s32 s5, $0x0;
	s5 =	sld [smem:$0x3FA3]  }
0x2b: {  	s6 =	sld [smem:$0x3FA4]  }
0x2c: {  	s7 =	sld [smem:$0x3FA5]  }
0x2d: {  	s3 =	simm.s32 $0x108;
	s8 =	sld [smem:$0x3FA6]  }
0x2e: {  	s3 =	simm.s32 @!p0 $0x1082;
	s9 =	sld [smem:$0x3FA7]  }
0x2f: {  	lr =	sadd.s32 s0, s3;
	s0 =	sld [smem:$0x3F9E]  }
0x30: {  	s3 =	sld [smem:$0x3FA1]  }
0x31: {  	[smem:$0x3FAA] =	sst s10  }
0x32: {  	s10 =	sld [smem:$0x3FA8];
	_ =	sdelay $0x3  }
0x33: {  	p0 =	seq.s32 s10, $0x1;
	s10 =	sld [smem:$0x3FAA];
	_ =	sdelay $0x3  }
0x34: {  	[smem:$0x3FAA] =	sst s10  }
0x35: {  	s10 =	sld [smem:$0x3FA9];
	_ =	sdelay $0x3  }
0x36: {  	p1 =	seq.s32 s10, $0x1;
	s10 =	sld [smem:$0x3FAA];
	_ =	sdelay $0x3  }
0x37: {  	[smem:$0x3FAA] =	sst s10  }
0x38: {  	s10 =	sld [smem:$0x3FAB]  }
0x39: {  	_ = 	snop;
	(pc) =	sbr.ind lr, $3  }
0x3a: {  	_ = 	snop  }
0x3b: {  	_ = 	snop  }
0x3c: {  	p2 =	seq.s32 s10, $0x1;
	s10 =	sld [smem:$0x3FAA]  }
0x3d: {  	_ =	shalt  }
0x3e: {  	_ =	shalt  }
0x3f: {  	_ =	shalt  }
0x40: {  	_ =	shalt  }
0x41: {  	_ =	shalt  }
0x42: {  	_ =	shalt  }
0x43: {  	_ =	shalt  }
0x44: {  	_ =	shalt  }
0x45: {  	_ =	shalt  }
0x46: {  	_ =	shalt  }
0x47: {  	_ =	shalt  }
0x48: {  	_ =	shalt  }
0x49: {  	_ =	shalt  }
0x4a: {  	_ =	shalt  }
0x4b: {  	_ =	shalt  }
0x4c: {  	_ =	shalt  }
0x4d: {  	_ =	shalt  }
0x4e: {  	_ =	shalt  }
0x4f: {  	_ =	shalt  }
0x50: {  	_ =	shalt  }
0x51: {  	_ =	shalt  }
0x52: {  	_ =	shalt  }
0x53: {  	_ =	shalt  }
0x54: {  	_ =	shalt  }
0x55: {  	_ =	shalt  }
0x56: {  	_ =	shalt  }
0x57: {  	_ =	shalt  }
0x58: {  	_ =	shalt  }
0x59: {  	_ =	shalt  }
0x5a: {  	_ =	shalt  }
0x5b: {  	_ =	shalt  }
0x5c: {  	_ =	shalt  }
0x5d: {  	_ =	shalt  }
0x5e: {  	_ =	shalt  }
0x5f: {  	_ =	shalt  }
0x60: {  	_ =	shalt  }
0x61: {  	_ =	shalt  }
0x62: {  	_ =	shalt  }
0x63: {  	_ =	shalt  }
0x64: {  	_ =	shalt  }
0x65: {  	_ =	shalt  }
0x66: {  	_ =	shalt  }
0x67: {  	_ =	shalt  }
0x68: {  	_ =	shalt  }
0x69: {  	_ =	shalt  }
0x6a: {  	_ =	shalt  }
0x6b: {  	_ =	shalt  }
0x6c: {  	_ =	shalt  }
0x6d: {  	_ =	shalt  }
0x6e: {  	_ =	shalt  }
0x6f: {  	_ =	shalt  }
0x70: {  	_ =	shalt  }
0x71: {  	_ =	shalt  }
0x72: {  	_ =	shalt  }
0x73: {  	_ =	shalt  }
0x74: {  	_ =	shalt  }
0x75: {  	_ =	shalt  }
0x76: {  	_ =	shalt  }
0x77: {  	_ =	shalt  }
0x78: {  	_ =	shalt  }
0x79: {  	_ =	shalt  }
0x7a: {  	_ =	shalt  }
0x7b: {  	_ =	shalt  }
0x7c: {  	_ =	shalt  }
0x7d: {  	_ =	shalt  }
0x7e: {  	_ =	shalt  }
0x7f: {  	_ =	shalt  }
0x80: {  	_ =	shalt  }
0x81: {  	_ =	shalt  }
0x82: {  	_ =	shalt  }
0x83: {  	_ =	shalt  }
0x84: {  	_ =	shalt  }
0x85: {  	_ =	shalt  }
0x86: {  	_ =	shalt  }
0x87: {  	_ =	shalt  }
.Lfunc_end0:
.L_simem_size_0:
called_computation_lowered:
.L_overlay_start_0:
0x88: {  	s2 =	sld [smem:$0x3FD9]  }
0x89: {  	s3 =	sld [smem:$0x3FFE];
	_ =	sdelay $0x1  }
0x8a: {  	s1 =	srdreg.scid  }
0x8b: {  	s0 =	sand.u32 $0x1, s1  }
0x8c: {  	s17 =	sshll.u32 s0, $0xA;
	s2 =	sadd.s32 s3, s2  }
0x8d: {  	s2 =	sadd.s32 s2, s17  }
0x8e: {  	[smem:$0x3FB6] =	sst s2  }
0x8f: {  	_ = 	snop  }
0x90: {  	s2 =	sld [smem:$0x3FC9]  }
0x91: {  	s18 =	sld [smem:$0x3FC8];
	(tm) =	ssettm $0x1  }
0x92: {  	s4 =	sld [smem:$0x3FFB];
	_ =	sdelay $0x3  }
0x93: {  	_ =	strace s4  }
0x94: {  	s4 =	sld [smem:$0x3FFC];
	_ =	sdelay $0x3  }
0x95: {  	_ =	strace s4  }
0x96: {  	s4 =	sld [smem:$0x3FFD];
	_ =	sdelay $0x3  }
0x97: {  	_ =	strace s4  }
0x98: {  	_ =	strace $0x8FFFFFFF  }
0x99: {  	s19 =	sld [smem:$0x3FDB];
	_ =	sdelay $0x1  }
0x9a: {  	s5 =	simm.s32 $_scs_section_size  }
0x9b: {  	s6 =	simm.s32 $_size__tile_overlayer_lowered;
	s7 =	simm.s32 $_tile_overlayer_lowered  }
0x9c: {  	s22 =	simm.s32 $0x1BFF;
	s21 =	sshll.u32 s7, $0x1;
	s4 =	sadd.s32 s5, s19  }
0x9d: {  	s8 =	simm.s32 $0x0;
	s20 =	sshll.u32 s6, $0x1;
	s6 =	sadd.s32 s21, s4  }
0x9e: {  	[timem:s8], [sflag:s22] =	dma.local [hbm:s6], s20  }
0x9f: {  	_ =	swait.ge [sflag:s22], s20  }
0xa0: {  	s5 =	ssub.s32 $0x0, s20;
	[sflag:s22] =	ssyncset.done $0x0  }
0xa1: {  	[sflag:s22] =	ssyncadd.s32 s5;
	_ =	sdelay $0x1  }
0xa2: {  	s23 =	simm.s32 $0x1B8B  }
0xa3: {  	_ =	swait.ge [sflag:s23], $0x1  }
0xa4: {  	[sflag:s23] =	ssyncset.done $0x0  }
0xa5: {  	s25 =	simm.s32 $0x1B8E;
	s24 =	sld [smem:$0x3FFE];
	[sflag:s23] =	ssyncadd.s32 $0xFFFFFFFF  }
0xa6: {  	s26 =	simm.s32 $execute0_lowered;
	[smem:$0x3FD2] =	sst s25  }
0xa7: {  	s6 =	sshll.u32 s26, $0x1;
	_ =	strace $0x80000046;
	[dreg:$0x1] =	wrdreg $0xFFFFFFFF  }
0xa8: {  	s28 =	simm.s32 $_size_execute0_lowered;
	s4 =	sadd.s32 s4, s6;
	[dreg:$0x0] =	wrdreg $0x0  }
0xa9: {  	s6 =	sshll.u32 s28, $0x1;
	[dreg:$0x2] =	wrdreg s4  }
0xaa: {  	[dreg:$0x3] =	wrdreg s6  }
0xab: {  	[dreg:$0x4] =	wrdreg $0xC0  }
0xac: {  	_ =	task [dreg:s8], $0x5FFFF  }
0xad: {  	[dreg:$0x1] =	wrdreg $0xFFFFFFFF  }
0xae: {  	[dreg:$0x0] =	wrdreg $0x60  }
0xaf: {  	[dreg:$0x2] =	wrdreg s2  }
0xb0: {  	[dreg:$0x3] =	wrdreg s18  }
0xb1: {  	[dreg:$0x4] =	wrdreg s24  }
0xb2: {  	[dreg:$0x5] =	wrdreg $0x9  }
0xb3: {  	_ =	task.clear_ibuf [dreg:s8], $0x6FFFF;
	_ =	strace $0x90000046  }
0xb4: {  	s29 =	simm.s32 $0x9;
	_ =	strace $0x80000048  }
0xb5: {  	_ =	swait.ge [sflag:s29], $0x1  }
0xb6: {  	[sflag:s29] =	ssyncadd.s32 $0xFFFFFFFF  }
0xb7: {  	_ =	strace $0x90000048  }
0xb8: {  	_ =	sfence  }
0xb9: {  	s30 =	sld [smem:$0x0];
	_ =	sdelay $0x2  }
0xba: {  	s31 =	sshll.u32 s1, $0xD;
	s1 =	sshrl.u32 s1, $0x2  }
0xbb: {  	s3 =	sand.u32 $0x4000, s31;
	s1 =	sadd.s32 s1, s30  }
0xbc: {  	s0 =	sor.u32 s3, s0;
	s1 =	sshll.u32 s1, $0x11  }
0xbd: {  	s0 =	sor.u32 s1, s0  }
0xbe: {  	s0 =	sadd.s32 $0x8F2B, s0  }
0xbf: {  	[sflag:s0] =	ssyncadd.remote.s32 $0x1  }
0xc0: {  	_ =	sfence.sel $0xFFFF  }
0xc1: {  	[dreg:$0x0] =	wrdreg $0xFFFFFFFF;
	(pc) =	sbr.abs _section_cstart, $3  }
0xc2: {  	[dreg:$0x1] =	wrdreg $0xFFFFFFFF  }
0xc3: {  	_ =	task.clear_ibuf [dreg:s8], $0x2FFFF;
	_ =	strace $0x9FFFFFFF  }
0xc4: {  	(tm) =	ssettm $0x7FFFFFFF  }
0xc5: {  	_ =	shalt  }
tec
execute0_lowered:
.L_overlay_start_1:
0x0: {  	(tag) =	ssettag $0x1  }
0x1: {  	s5 =	rddreg [dreg:$0x0]  }
0x2: {  	s6 =	rddreg [dreg:$0x1]  }
0x3: {  	s7 =	rddreg [dreg:$0x2]  }
0x4: {  	s0 =	rddreg [dreg:$0x3]  }
0x5: {  	s1 =	simm.s32 $0x0;
	s8 =	srdreg.scid;
	s2 =	stileid.u32  }
0x6: {  	s13 =	simm.s32 $0x200;
	s14 =	simm.s32 $0x1;
	s15 =	simm.s32 $0x2  }
0x7: {  	s16 =	simm.s32 $0x400;
	s17 =	simm.s32 $0x8400;
	s18 =	simm.s32 $0x0  }
0x8: {  	[smem:$0x7FF] =	sst s1;
	s3 =	sadd.s32 $0x2600, s7;
	s4 =	sadd.s32 $0xF44A00, s7  }
0x9: {  	s9 =	sadd.s32 $0x1E86E00, s7;
	s8 =	sand.u32 $0x1, s8;
	s11 =	sshll.u32 s2, $0xA  }
0xa: {  	s12 =	sadd.s32 $0x1EC6E00, s7;
	s10 =	ssub.s32 $0x2, s8;
	s8 =	sshll.u32 s8, $0x9  }
0xb: {  	_ =	strace $0x80000047;
	s28 =	sshrl.u32 s10, $0x1;
	s8 =	sor.u32 s8, s11  }
0xc: {  	s29 =	ssub.s32 s10, s28;
	s30 =	sshrl.u32 s8, $0x3;
	s8 =	sshll.u32 s8, $0x4  }
0xd: {  	s5 =	sadd.s32 s5, s30;
	s6 =	sadd.s32 s6, s30;
	s31 =	sor.u32 $0x1000, s8  }
0xe: {  	s7 =	sadd.s32 s9, s8;
	s8 =	sadd.s32 s12, s8;
	s11 =	smax.u32 s29, $0x1  }
0xf: {  	v0 =	vlaneseq.u32;
	s9 =	sadd.s32 s9, s31;
	s10 =	sadd.s32 s12, s31;
	s12 =	simm.s32 $0x3  }
.LBB2_1:
0x10: {  	[tilespmem:s1], [sflag:$0x3] =	stream.linear.gather [hbm4b:s5+s1], $0x200, $0x38;
	[tilespmem:$0x10400] =	vst v63  }
0x11: {  	_ =	swait.ge [sflag:s12], $0x200  }
0x12: {  	[sflag:s12] =	ssyncset.done $0x0  }
0x13: {  	[sflag:s12] =	ssyncadd.s32 $0xFFFFFE00  }
0x14: {  	[tilespmem:s13], [sflag:$0x3] =	stream.linear.gather [hbm4b:s6+s1], $0x200, $0x38;
	[tilespmem:$0x10400] =	vst v63  }
0x15: {  	_ =	swait.ge [sflag:s12], $0x200  }
0x16: {  	[sflag:s12] =	ssyncset.done $0x0  }
0x17: {  	s19 =	sand.u32 $0xF0, s1;
	[sflag:s12] =	ssyncadd.s32 $0xFFFFFE00  }
0x18: {  	v1 =	vld [tilespmem:s19+$0x0]  }
0x19: {  	v2 =	vld [tilespmem:s19+$0x200]  }
0x1a: {  	s29 =	sand.u32 $0xF, s1  }
0x1b: {  	v3 =	vmov s29  }
0x1c: {  	vm0 =	veq.s32 v3, v0  }
0x1d: {  	v1 =	vnsel vm0, $0x0, v1  }
0x1e: {  	v2 =	vnsel vm0, $0x0, v2;
	(xrf0) =	vadd.scan.msk.s32 $0xffff, v1  }
0x1f: {  	(xrf0) =	vadd.scan.msk.s32 $0xffff, v2;
	_ =	sdelay $0x4  }
0x20: {  	v1, _, _ =	vpop (xrf0)  }
0x21: {  	(v2sf) =	vpush v1, $0xF;
	v1, _, _ =	vpop (xrf0)  }
0x22: {  	(v2sf) =	vpush v1, $0xF;
	_ =	sdelay $0xd  }
0x23: {  	s30 =	spop (v2sf)  }
0x24: {  	s19 =	sshll.u32 s30, $0x4;
	s20 =	spop (v2sf)  }
0x25: {  	s19 =	sand.u32 $0x1FFFFFF0, s19;
	s20 =	sshll.u32 s20, $0x4  }
0x26: {  	s21 =	simm.s32 $0x1;
	s19 =	sadd.s32 s3, s19;
	s20 =	sand.u32 $0x1FFFFFF0, s20  }
0x27: {  	[tilespmem:s16], [sflag:$0x1] =	stream.linear.gather [hbm4b:s19+s1], $0x80, $0x38;
	[tilespmem:$0x10400] =	vst v63  }
0x28: {  	s23 =	sand.u32 $0xF0, s21;
	s31 =	sadd.s32 s4, s20  }
0x29: {  	[tilespmem:s17], [sflag:$0x2] =	stream.linear.gather [hbm4b:s31+s1], $0x80, $0x38;
	[tilespmem:$0x10400] =	vst v63  }
0x2a: {  	s22 =	simm.s32 $0x2;
	s20 =	simm.s32 $0x400;
	s19 =	simm.s32 $0x8400;
	v1 =	vld [tilespmem:s23+$0x0]  }
.LBB2_2:
0x2b: {  	p0 =	sne.s32 s22, $0xFF;
	v2 =	vld [tilespmem:s23+$0x200]  }
0x2c: {  	s23 =	sand.u32 $0xF, s21;
	s21 =	smov.u32 s22  }
0x2d: {  	v3 =	vmov s23  }
0x2e: {  	vm0 =	veq.s32 v3, v0  }
0x2f: {  	v1 =	vnsel vm0, $0x0, v1  }
0x30: {  	v2 =	vnsel vm0, $0x0, v2;
	(xrf0) =	vadd.scan.msk.s32 $0xffff, v1  }
0x31: {  	(xrf0) =	vadd.scan.msk.s32 $0xffff, v2;
	_ =	sdelay $0x4  }
0x32: {  	v1, _, _ =	vpop (xrf0)  }
0x33: {  	(v2sf) =	vpush v1, $0xF;
	v1, _, _ =	vpop (xrf0)  }
0x34: {  	(v2sf) =	vpush v1, $0xF;
	_ =	sdelay $0xd  }
0x35: {  	s23 =	spop (v2sf)  }
0x36: {  	s23 =	sshll.u32 s23, $0x4;
	s24 =	spop (v2sf)  }
0x37: {  	s20 =	sadd.s32 $0x80, s20;
	s23 =	sand.u32 $0x1FFFFFF0, s23;
	s24 =	sshll.u32 s24, $0x4  }
.Ltmp0:
0x38: {  	s23 =	sadd.s32 s3, s23;
	s24 =	sand.u32 $0x1FFFFFF0, s24;
	(pc) =	sbr.rel @p0 .LBB2_2-.Ltmp0, $4  }
0x39: {  	[tilespmem:s20], [sflag:$0x1] =	stream.linear.gather [hbm4b:s23+s1], $0x80, $0x38;
	[tilespmem:$0x10400] =	vst v63  }
0x3a: {  	s19 =	sadd.s32 $0x80, s19;
	s23 =	sand.u32 $0xF0, s22;
	s24 =	sadd.s32 s4, s24  }
0x3b: {  	[tilespmem:s19], [sflag:$0x2] =	stream.linear.gather [hbm4b:s24+s1], $0x80, $0x38;
	[tilespmem:$0x10400] =	vst v63  }
0x3c: {  	s22 =	sadd.s32 $0x1, s22;
	v1 =	vld [tilespmem:s23+$0x0]  }
0x3d: {  	v2 =	vld [tilespmem:s23+$0x200]  }
0x3e: {  	s21 =	sand.u32 $0xF, s21  }
0x3f: {  	v3 =	vmov s21  }
0x40: {  	vm0 =	veq.s32 v3, v0  }
0x41: {  	v1 =	vnsel vm0, $0x0, v1  }
0x42: {  	v2 =	vnsel vm0, $0x0, v2;
	(xrf0) =	vadd.scan.msk.s32 $0xffff, v1  }
0x43: {  	(xrf0) =	vadd.scan.msk.s32 $0xffff, v2;
	_ =	sdelay $0x4  }
0x44: {  	v1, _, _ =	vpop (xrf0)  }
0x45: {  	(v2sf) =	vpush v1, $0xF;
	v1, _, _ =	vpop (xrf0)  }
0x46: {  	(v2sf) =	vpush v1, $0xF;
	_ =	sdelay $0xd  }
0x47: {  	s25 =	spop (v2sf)  }
0x48: {  	s21 =	sshll.u32 s25, $0x4;
	s22 =	spop (v2sf)  }
0x49: {  	s21 =	sand.u32 $0x1FFFFFF0, s21;
	s22 =	sshll.u32 s22, $0x4  }
0x4a: {  	s20 =	sadd.s32 $0x80, s20;
	s21 =	sadd.s32 s3, s21;
	s22 =	sand.u32 $0x1FFFFFF0, s22  }
0x4b: {  	[tilespmem:s20], [sflag:$0x1] =	stream.linear.gather [hbm4b:s21+s1], $0x80, $0x38;
	[tilespmem:$0x10400] =	vst v63  }
0x4c: {  	s19 =	sadd.s32 $0x80, s19;
	s26 =	sadd.s32 s4, s22  }
0x4d: {  	[tilespmem:s19], [sflag:$0x2] =	stream.linear.gather [hbm4b:s26+s1], $0x80, $0x38;
	[tilespmem:$0x10400] =	vst v63  }
0x4e: {  	_ =	swait.ge [sflag:s14], $0x8000  }
0x4f: {  	[sflag:s14] =	ssyncset.done $0x0  }
0x50: {  	[sflag:s14] =	ssyncadd.s32 $0xFFFF8000  }
0x51: {  	_ =	swait.ge [sflag:s15], $0x8000  }
0x52: {  	[sflag:s15] =	ssyncset.done $0x0  }
0x53: {  	s28 =	simm.s32 $0x0;
	s19 =	simm.s32 $0x400;
	[sflag:s15] =	ssyncadd.s32 $0xFFFF8000  }
0x54: {  	[hbm4b:s7+s28] =	stream.linear.scatter [tilespmem:s19], [sflag:$0x3], $0x8000, $0x38;
	[tilespmem:$0x10400] =	vst v63  }
0x55: {  	_ =	swait.ge [sflag:s12], $0x8000  }
0x56: {  	[sflag:s12] =	ssyncset.done $0x0  }
0x57: {  	s20 =	simm.s32 $0x8400;
	[sflag:s12] =	ssyncadd.s32 $0xFFFF8000  }
0x58: {  	[hbm4b:s8+s28] =	stream.linear.scatter [tilespmem:s20], [sflag:$0x3], $0x8000, $0x38;
	[tilespmem:$0x10400] =	vst v63  }
0x59: {  	_ =	swait.ge [sflag:s12], $0x8000  }
0x5a: {  	[sflag:s12] =	ssyncset.done $0x0  }
0x5b: {  	s29 =	sand.u32 $0xF0, s28;
	[sflag:s12] =	ssyncadd.s32 $0xFFFF8000  }
0x5c: {  	v1 =	vld [tilespmem:s29+$0x100];
	_ =	sdelay $0x1  }
0x5d: {  	s21 =	sand.u32 $0xF, s28;
	v2 =	vld [tilespmem:s29+$0x300]  }
0x5e: {  	v3 =	vmov s21  }
0x5f: {  	vm15 =	veq.s32 v3, v0  }
0x60: {  	v1 =	vnsel vm15, $0x0, v1  }
0x61: {  	(xrf0) =	vadd.scan.msk.s32 $0xffff, v1  }
0x62: {  	v2 =	vnsel vm15, $0x0, v2  }
0x63: {  	(xrf0) =	vadd.scan.msk.s32 $0xffff, v2;
	_ =	sdelay $0x3  }
0x64: {  	v1, _, _ =	vpop (xrf0)  }
0x65: {  	(v2sf) =	vpush v1, $0xF  }
0x66: {  	v1, _, _ =	vpop (xrf0)  }
0x67: {  	(v2sf) =	vpush v1, $0xF;
	_ =	sdelay $0xc  }
0x68: {  	s30 =	spop (v2sf)  }
0x69: {  	s21 =	sshll.u32 s30, $0x4  }
0x6a: {  	s31 =	spop (v2sf);
	s21 =	sand.u32 $0x1FFFFFF0, s21  }
0x6b: {  	s22 =	sshll.u32 s31, $0x4;
	s21 =	sadd.s32 s3, s21  }
0x6c: {  	[tilespmem:s19], [sflag:$0x1] =	stream.linear.gather [hbm4b:s21+s1], $0x80, $0x38;
	[tilespmem:$0x10400] =	vst v63  }
0x6d: {  	s22 =	sand.u32 $0x1FFFFFF0, s22;
	s21 =	simm.s32 $0x1  }
0x6e: {  	s22 =	sadd.s32 s4, s22;
	s23 =	sand.u32 $0xF0, s21  }
0x6f: {  	[tilespmem:s20], [sflag:$0x2] =	stream.linear.gather [hbm4b:s22+s1], $0x80, $0x38;
	[tilespmem:$0x10400] =	vst v63  }
0x70: {  	s22 =	simm.s32 $0x2;
	v1 =	vld [tilespmem:s23+$0x100]  }
.LBB2_4:
0x71: {  	p0 =	sne.s32 s22, $0xFF;
	v2 =	vld [tilespmem:s23+$0x300]  }
0x72: {  	s23 =	sand.u32 $0xF, s21;
	s21 =	smov.u32 s22  }
0x73: {  	v3 =	vmov s23  }
0x74: {  	vm0 =	veq.s32 v3, v0  }
0x75: {  	v1 =	vnsel vm0, $0x0, v1  }
0x76: {  	v2 =	vnsel vm0, $0x0, v2;
	(xrf0) =	vadd.scan.msk.s32 $0xffff, v1  }
0x77: {  	(xrf0) =	vadd.scan.msk.s32 $0xffff, v2;
	_ =	sdelay $0x4  }
0x78: {  	v1, _, _ =	vpop (xrf0)  }
0x79: {  	(v2sf) =	vpush v1, $0xF;
	v1, _, _ =	vpop (xrf0)  }
0x7a: {  	(v2sf) =	vpush v1, $0xF;
	_ =	sdelay $0xd  }
0x7b: {  	s23 =	spop (v2sf)  }
0x7c: {  	s23 =	sshll.u32 s23, $0x4;
	s24 =	spop (v2sf)  }
0x7d: {  	s19 =	sadd.s32 $0x80, s19;
	s23 =	sand.u32 $0x1FFFFFF0, s23;
	s24 =	sshll.u32 s24, $0x4  }
.Ltmp1:
0x7e: {  	s23 =	sadd.s32 s3, s23;
	s24 =	sand.u32 $0x1FFFFFF0, s24;
	(pc) =	sbr.rel @p0 .LBB2_4-.Ltmp1, $4  }
0x7f: {  	[tilespmem:s19], [sflag:$0x1] =	stream.linear.gather [hbm4b:s23+s1], $0x80, $0x38;
	[tilespmem:$0x10400] =	vst v63  }
0x80: {  	s20 =	sadd.s32 $0x80, s20;
	s23 =	sand.u32 $0xF0, s22;
	s24 =	sadd.s32 s4, s24  }
0x81: {  	[tilespmem:s20], [sflag:$0x2] =	stream.linear.gather [hbm4b:s24+s1], $0x80, $0x38;
	[tilespmem:$0x10400] =	vst v63  }
0x82: {  	s22 =	sadd.s32 $0x1, s22;
	v1 =	vld [tilespmem:s23+$0x100]  }
0x83: {  	v2 =	vld [tilespmem:s23+$0x300]  }
0x84: {  	s21 =	sand.u32 $0xF, s21  }
0x85: {  	v3 =	vmov s21  }
0x86: {  	vm0 =	veq.s32 v3, v0  }
0x87: {  	v1 =	vnsel vm0, $0x0, v1  }
0x88: {  	v2 =	vnsel vm0, $0x0, v2;
	(xrf0) =	vadd.scan.msk.s32 $0xffff, v1  }
0x89: {  	(xrf0) =	vadd.scan.msk.s32 $0xffff, v2;
	_ =	sdelay $0x4  }
0x8a: {  	v1, _, _ =	vpop (xrf0)  }
0x8b: {  	(v2sf) =	vpush v1, $0xF;
	v1, _, _ =	vpop (xrf0)  }
0x8c: {  	(v2sf) =	vpush v1, $0xF;
	_ =	sdelay $0xd  }
0x8d: {  	s30 =	spop (v2sf)  }
0x8e: {  	s21 =	sshll.u32 s30, $0x4;
	s22 =	spop (v2sf)  }
0x8f: {  	s21 =	sand.u32 $0x1FFFFFF0, s21;
	s22 =	sshll.u32 s22, $0x4  }
0x90: {  	s19 =	sadd.s32 $0x80, s19;
	s21 =	sadd.s32 s3, s21;
	s22 =	sand.u32 $0x1FFFFFF0, s22  }
0x91: {  	[tilespmem:s19], [sflag:$0x1] =	stream.linear.gather [hbm4b:s21+s1], $0x80, $0x38;
	[tilespmem:$0x10400] =	vst v63  }
0x92: {  	s20 =	sadd.s32 $0x80, s20;
	s31 =	sadd.s32 s4, s22  }
0x93: {  	[tilespmem:s20], [sflag:$0x2] =	stream.linear.gather [hbm4b:s31+s1], $0x80, $0x38;
	[tilespmem:$0x10400] =	vst v63  }
0x94: {  	_ =	swait.ge [sflag:s14], $0x8000  }
0x95: {  	[sflag:s14] =	ssyncset.done $0x0  }
0x96: {  	[sflag:s14] =	ssyncadd.s32 $0xFFFF8000  }
0x97: {  	_ =	swait.ge [sflag:s15], $0x8000  }
0x98: {  	[sflag:s15] =	ssyncset.done $0x0  }
0x99: {  	[sflag:s15] =	ssyncadd.s32 $0xFFFF8000  }
0x9a: {  	[hbm4b:s9+s1] =	stream.linear.scatter [tilespmem:s16], [sflag:$0x3], $0x8000, $0x38;
	[tilespmem:$0x10400] =	vst v63  }
0x9b: {  	s18 =	sadd.s32 $0x1, s18;
	_ =	swait.ge [sflag:s12], $0x8000  }
0x9c: {  	p0 =	sne.s32 s18, s11;
	[sflag:s12] =	ssyncset.done $0x0  }
.Ltmp2:
0x9d: {  	[sflag:s12] =	ssyncadd.s32 $0xFFFF8000;
	(pc) =	sbr.rel @p0 .LBB2_1-.Ltmp2, $4  }
0x9e: {  	[hbm4b:s10+s1] =	stream.linear.scatter [tilespmem:s17], [sflag:$0x3], $0x8000, $0x38;
	[tilespmem:$0x10400] =	vst v63  }
0x9f: {  	_ =	swait.ge [sflag:s12], $0x8000  }
0xa0: {  	[sflag:s12] =	ssyncset.done $0x0  }
0xa1: {  	[sflag:s12] =	ssyncadd.s32 $0xFFFF8000  }
0xa2: {  	_ =	sfence.sel $0x180000  }
0xa3: {  	[bflag:$0x0] =	sbarrier.arrive $0xFFFF  }
0xa4: {  	p0 =	sne.s32 s2, $0x0;
	_ =	strace $0x90000047  }
0xa5: {  	s0 =	sadd.s32 @!p0 $0x100000, s0;
	[bflag:$0x2] =	sbarrier.arrive $0xFFFF  }
0xa6: {  	[sflag:s0] =	ssyncadd.tile.s32 @!p0 $0x1;
	_ =	shalt  }
.Lfunc_end2:
_tile_overlayer_lowered:
.L_overlay_start_2:
0xa7: {  	(tag) =	ssettag $0x2  }
0xa8: {  	s0 =	rddreg [dreg:$0x0];
	s2 =	stileid.u32  }
0xa9: {  	s1 =	rddreg [dreg:$0x1];
	p0 =	sne.s32 s2, $0x0  }
0xaa: {  	s3 =	rddreg [dreg:$0x2];
	[bflag:$0x3] =	sbarrier.arrive $0xFFFF;
	s2 =	simm.s32 @!p0 $0x1C03  }
0xab: {  	[timem:s3], [sflag:s2] =	dma.local @!p0 [hbm:s0], s1  }
0xac: {  	s0 =	simm.s32 @!p0 $0x3  }
0xad: {  	_ =	swait.ge @!p0 [sflag:s0], s1  }
0xae: {  	s1 =	ssub.s32 @!p0 $0x0, s1;
	[sflag:s0] =	ssyncset.done @!p0 $0x0  }
0xaf: {  	[sflag:s0] =	ssyncadd.s32 @!p0 s1  }
0xb0: {  	[bflag:$0x3] =	sbarrier.arrive $0xFFFF  }
0xb1: {  	_ =	shalt  }

</sc_bundles>
